<compile_context>
chip_gen: v7x
topology: tpu7x:2x2x1
jax: 0.10.2.dev20260603
libtpu: 0.0.44.dev20260713+nightly
codegen_flags: <defaults>
</compile_context>

<pallas_src>
import math

import jax
import jax.numpy as jnp
from jax.experimental import pallas as pl
from jax.experimental.pallas import tpu as pltpu
from jax.experimental.pallas import tpu_sc as plsc

B, S, QD, KD = 8, 256, 1024, 128
NENT, NB1, NB2 = 256, 8, 8
E = 128
NBLK = NENT // E
MAIN = B * NBLK
ROWS = B * NENT
ZROW = ROWS
_HP = jax.lax.Precision.HIGHEST


def _dot(a, b, dims, prec=_HP):
    return jax.lax.dot_general(a, b, (dims, ((), ())), precision=prec,
                               preferred_element_type=jnp.float32)


def _att_lane(raw, n):
    a = jnp.where(raw == 0.0, -10000.0, raw)
    a = jnp.where(a >= 0.0, a, 0.01 * a)
    m = jnp.max(a, axis=1, keepdims=True)
    e = jnp.exp(a - m)
    sm = e / jnp.sum(e, axis=1, keepdims=True)
    return jnp.where(sm == 1.0 / n, 0.0, sm)


def _att_col(raw, n):
    rows = raw.shape[0]
    a = jnp.where(raw == 0.0, -10000.0, raw)
    a = jnp.where(a >= 0.0, a, 0.01 * a)
    grp = a.reshape(rows // n, n, 1)
    m = jnp.max(grp, axis=1, keepdims=True)
    e = jnp.exp(grp - m)
    sm = e / jnp.sum(e, axis=1, keepdims=True)
    sm = jnp.where(sm == 1.0 / n, 0.0, sm)
    return sm.reshape(rows, 1)


def _tc_body(q0_ref, k1_ref, v1_ref, k2_ref, v2_ref,
             wq2_ref, bq2_ref, wk2_ref, wq1_ref, bq1_ref, wk1_ref,
             out_ref, qt2_s, qt1_s):
    g = pl.program_id(0)

    @pl.when(jnp.logical_and(g % NBLK == 0, g < MAIN))
    def _():
        q0 = q0_ref[...].reshape(1, QD)
        qi2 = jnp.tanh(_dot(q0, wq2_ref[...], ((1,), (0,))) + bq2_ref[...])
        qt2 = _dot(qi2, wk2_ref[...], ((1,), (1,)))
        qrow = jnp.concatenate([qt2] * NB2, axis=1)
        lane = jax.lax.broadcasted_iota(jnp.int32, (NB2, NB2 * KD), 1) // KD
        row = jax.lax.broadcasted_iota(jnp.int32, (NB2, NB2 * KD), 0)
        qt2_s[...] = jnp.where(lane == row,
                               jnp.broadcast_to(qrow, (NB2, NB2 * KD)), 0.0)
        qi1 = jnp.tanh(_dot(q0, wq1_ref[...], ((1,), (0,))) + bq1_ref[...])
        qt1_s[...] = _dot(qi1, wk1_ref[...], ((1,), (1,)))

    @pl.when(g < MAIN)
    def _():
        scale = 1.0 / math.sqrt(KD)
        k2m = k2_ref[...].reshape(E * NB1, NB2 * KD)
        a2 = _dot(k2m, qt2_s[...], ((1,), (1,)), None) * scale
        a2 = _att_lane(a2, NB2)
        a2big = jnp.concatenate(
            [jnp.broadcast_to(a2[:, j:j + 1], (E * NB1, KD))
             for j in range(NB2)], axis=1)
        y = v2_ref[...].reshape(E * NB1, NB2 * KD) * a2big
        c2 = ((y[:, 0:KD] + y[:, KD:2 * KD])
              + (y[:, 2 * KD:3 * KD] + y[:, 3 * KD:4 * KD])
              + ((y[:, 4 * KD:5 * KD] + y[:, 5 * KD:6 * KD])
                 + (y[:, 6 * KD:7 * KD] + y[:, 7 * KD:8 * KD])))
        jj = g % NBLK
        k1r = k1_ref[0, pl.ds(jj * E * NB1, E * NB1), :]
        a1 = _dot(k1r, qt1_s[...], ((1,), (1,)), None) * scale
        a1 = _att_col(a1, NB1)
        v1r = v1_ref[0, pl.ds(jj * E * NB1, E * NB1), :]
        left = (v1r * a1).reshape(E, NB1, KD).sum(axis=1)
        right = (c2 * a1).reshape(E, NB1, KD).sum(axis=1)
        out_ref[:, 0:KD] = left
        out_ref[:, KD:2 * KD] = right

    @pl.when(g == MAIN)
    def _():
        out_ref[...] = jnp.zeros((E, 2 * KD), jnp.float32)


def _b_of(g):
    return jnp.minimum(g // NBLK, B - 1)


def _j_of(g):
    return jnp.where(g >= MAIN, NBLK - 1, g % NBLK)


def _tc_grid_spec():
    return dict(
        grid=(MAIN + 1,),
        in_specs=[
            pl.BlockSpec((1, 1, QD), lambda g: (_b_of(g), 0, 0)),
            pl.BlockSpec((1, NENT * NB1, KD), lambda g: (_b_of(g), 0, 0)),
            pl.BlockSpec((1, NENT * NB1, KD), lambda g: (_b_of(g), 0, 0)),
            pl.BlockSpec((1, E * NB1, NB2 * KD),
                         lambda g: (_b_of(g), _j_of(g), 0)),
            pl.BlockSpec((1, E * NB1, NB2 * KD),
                         lambda g: (_b_of(g), _j_of(g), 0)),
            pl.BlockSpec((QD, KD), lambda g: (0, 0)),
            pl.BlockSpec((1, KD), lambda g: (0, 0)),
            pl.BlockSpec((KD, KD), lambda g: (0, 0)),
            pl.BlockSpec((QD, KD), lambda g: (0, 0)),
            pl.BlockSpec((1, KD), lambda g: (0, 0)),
            pl.BlockSpec((KD, KD), lambda g: (0, 0)),
        ],
        out_specs=pl.BlockSpec((E, 2 * KD), lambda g: (g, 0)),
        out_shape=jax.ShapeDtypeStruct((ROWS + E, 2 * KD), jnp.float32),
        scratch_shapes=[pltpu.VMEM((NB2, NB2 * KD), jnp.float32),
                        pltpu.VMEM((1, KD), jnp.float32)],
    )


def _tc_combined(q0, k1, v1, k2, v2, W_q2, b_q2, W_k2, W_q1, b_q1, W_k1):
    return pl.pallas_call(_tc_body, **_tc_grid_spec())(
        q0, k1.reshape(B, NENT * NB1, KD), v1.reshape(B, NENT * NB1, KD),
        k2.reshape(B, NENT * NB1, NB2 * KD), v2.reshape(B, NENT * NB1, NB2 * KD),
        W_q2, b_q2, W_k2, W_q1, b_q1, W_k1)


def _sc_indices(input_ent):
    mesh = plsc.ScalarSubcoreMesh(axis_name="core", num_cores=2)

    @pl.kernel(out_type=jax.ShapeDtypeStruct((B * S,), jnp.int32), mesh=mesh,
               scratch_types=[pltpu.SMEM((S,), jnp.int32),
                              pltpu.SMEM((S,), jnp.int32),
                              pltpu.SemaphoreType.DMA])
    def idx_kernel(ent_ref, idx_ref, ent_s, idx_s, sem):
        c = jax.lax.axis_index("core")

        @pl.loop(0, B // 2)
        def _(kb):
            b = c * (B // 2) + kb
            pltpu.async_copy(ent_ref.at[pl.ds(b * S, S)], ent_s, sem).wait()

            def body(s, cnt):
                nz = ent_s[s] != 0
                idx_s[s] = jnp.where(nz, b * NENT + cnt, ZROW)
                return cnt + nz.astype(jnp.int32)

            jax.lax.fori_loop(0, S, body, jnp.int32(0))
            pltpu.async_copy(idx_s, idx_ref.at[pl.ds(b * S, S)], sem).wait()

    return idx_kernel(input_ent.reshape(B * S))


def _sc_gather(table, idx):
    mesh = plsc.VectorSubcoreMesh(core_axis_name="c", subcore_axis_name="s")
    nw = 32
    per_w = (B * S) // nw

    @pl.kernel(out_type=jax.ShapeDtypeStruct((B * S, 2 * KD), jnp.float32),
               mesh=mesh,
               scratch_types=[pltpu.VMEM((per_w,), jnp.int32),
                              pltpu.VMEM((per_w, 2 * KD), jnp.float32),
                              pltpu.SemaphoreType.DMA])
    def gather_kernel(table_ref, idx_ref, out_ref, idx_v, rows_v, sem):
        wid = jax.lax.axis_index("s") * 2 + jax.lax.axis_index("c")
        base = wid * per_w
        pltpu.sync_copy(idx_ref.at[pl.ds(base, per_w)], idx_v)
        pltpu.async_copy(table_ref.at[idx_v], rows_v, sem).wait()
        pltpu.sync_copy(rows_v, out_ref.at[pl.ds(base, per_w)])

    return gather_kernel(table, idx)


def kernel(input_ent, q, k1, v1, k2, v2, W_q2, b_q2, W_k2, W_q1, b_q1, W_k1):
    q0 = q[:, 0:1, :]
    table = _tc_combined(q0, k1, v1, k2, v2, W_q2, b_q2.reshape(1, KD),
                         W_k2, W_q1, b_q1.reshape(1, KD), W_k1)
    idx = _sc_indices(input_ent)
    out = _sc_gather(table, idx)
    return out.reshape(B, S, 2 * KD)

# --- scband reference (transcript-rebuilt; emitter-appended) ---
"""Pipeline reference for scband-dkencoder-77489799954619 (READ-ONLY COPY).

The authoritative reference and input builder live on the scoring server;
editing this copy changes nothing except your own understanding.
"""

import jax, jax.numpy as jnp
import numpy as np
import math

B, S, QD, KD = 8, 256, 1024, 128
NENT, NB1, NB2 = 256, 8, 8

def setup_inputs(seed: int = 0) -> dict:
    key = jax.random.key(seed)
    ks = jax.random.split(key, 12)
    inp = {}
    inp['input_ent'] = jax.random.randint(ks[0], (B, S), 0, 100000, dtype=jnp.int32)
    inp['q'] = jax.random.normal(ks[1], (B, S, QD), dtype=jnp.float32)
    inp['k1'] = jax.random.normal(ks[2], (B, NENT, NB1, KD), dtype=jnp.float32)
    inp['v1'] = jax.random.normal(ks[3], (B, NENT, NB1, KD), dtype=jnp.float32)
    inp['k2'] = jax.random.normal(ks[4], (B, NENT, NB1, NB2, KD), dtype=jnp.float32)
    inp['v2'] = jax.random.normal(ks[5], (B, NENT, NB1, NB2, KD), dtype=jnp.float32)
    # learned params: layer 0 has layer_no=2 (deepest hop), layer 1 has layer_no=1
    inp['W_q2'] = jax.random.normal(ks[6], (QD, KD), dtype=jnp.float32) * 0.05
    inp['b_q2'] = jnp.zeros((KD,), dtype=jnp.float32)
    inp['W_k2'] = jax.random.normal(ks[7], (KD, KD), dtype=jnp.float32) * 0.05
    inp['W_q1'] = jax.random.normal(ks[8], (QD, KD), dtype=jnp.float32) * 0.05
    inp['b_q1'] = jnp.zeros((KD,), dtype=jnp.float32)
    inp['W_k1'] = jax.random.normal(ks[9], (KD, KD), dtype=jnp.float32) * 0.05
    return inp

def reference(input_ent, q, k1, v1, k2, v2, W_q2, b_q2, W_k2, W_q1, b_q1, W_k1):
    q0 = q[:, 0, :]  # [B, QD]
    # ---- layer 0 (layer_no=2), uses k_v_s[-1] = (k2, v2) ----
    qi = jnp.tanh(q0 @ W_q2 + b_q2)  # [B, KD]
    qi = qi[:, None, None, None, :]  # unsqueeze(1..3)
    kk = k2 @ W_k2  # [B, NENT, NB1, NB2, KD]
    att = (qi * kk).sum(axis=4) / math.sqrt(KD)  # [B, NENT, NB1, NB2]
    att = jnp.where(att == 0.0, -10000.0, att)
    att = jax.nn.softmax(jax.nn.leaky_relu(att), axis=3)
    att = jnp.where(att == 1.0 / att.shape[-1], 0.0, att)
    att = att[:, :, :, None, :]  # unsqueeze(3)
    combined = jnp.matmul(att, v2)[:, :, :, 0, :]  # [B, NENT, NB1, KD]
    # ---- layer 1 (layer_no=1), uses k_v_s[-2] = (k1, v1) ----
    v = jnp.concatenate([v1, combined], axis=-1)  # [B, NENT, NB1, 2*KD]
    qi = jnp.tanh(q0 @ W_q1 + b_q1)[:, None, None, :]  # unsqueeze(1..2)
    kk = k1 @ W_k1  # [B, NENT, NB1, KD]
    att = (qi * kk).sum(axis=3) / math.sqrt(KD)  # [B, NENT, NB1]
    att = jnp.where(att == 0.0, -10000.0, att)
    att = jax.nn.softmax(jax.nn.leaky_relu(att), axis=2)
    att = jnp.where(att == 1.0 / att.shape[-1], 0.0, att)
    att = att[:, :, None, :]  # unsqueeze(2)
    combined = jnp.matmul(att, v)[:, :, 0, :]  # [B, NENT, 2*KD]
    # ---- scatter combined reps into entity positions (nonzero input_ent) ----
    mask = input_ent != 0  # [B, S]
    rank = jnp.cumsum(mask.astype(jnp.int32), axis=1) - 1  # order among nonzeros per row
    rank = jnp.clip(rank, 0, NENT - 1)
    gathered = jnp.take_along_axis(combined, rank[:, :, None], axis=1)  # [B, S, 2*KD]
    hidden_states_ent = jnp.where(mask[:, :, None], gathered, jnp.zeros((), dtype=combined.dtype))
    return hidden_states_ent

if __name__ == "__main__":
    import jax
    _d = setup_inputs()
    print(jax.jit(kernel)(*tuple(_d.values())))

</pallas_src>

<mosaic_0001>
#map = affine_map<(d0, d1) -> (0, 0)>
#map1 = affine_map<(d0, d1) -> (0)>
module attributes {stable_mosaic.version = 14 : i64} {
  func.func @gather_kernel(%arg0: i32, %arg1: i32, %arg2: memref<2176x256xf32, #tpu.memory_space<hbm>>, %arg3: memref<2048xi32, #tpu.memory_space<hbm>>, %arg4: memref<2048x256xf32, #tpu.memory_space<hbm>>, %arg5: memref<64xi32, #tpu.memory_space<vmem>>, %arg6: memref<64x256xf32, #tpu.memory_space<vmem>>, %arg7: memref<!tpu.dma_semaphore, #tpu.memory_space<semaphore_mem>>) attributes {dimension_semantics = [#tpu.dimension_semantics<core_parallel>, #tpu.dimension_semantics<subcore_parallel>], iteration_bounds = array<i64: 2, 16>, scalar_prefetch = 0 : i64, scratch_operands = 3 : i64, tpu.core_type = #tpu.core_type<sc_vector_subcore>, window_params = [{transform_indices = #map}, {transform_indices = #map1}, {transform_indices = #map}]} {
    %mul3A = arith.constant 2 : i32
    %mul3A_0 = arith.muli %arg1, %mul3A : i32
    %add3A = arith.addi %mul3A_0, %arg0 : i32
    %mul3A_1 = arith.constant 64 : i32
    %mul3A_2 = arith.muli %add3A, %mul3A_1 : i32
    "tpu.region"() ({
      %run_scoped3A = tpu.sem_alloc : memref<!tpu.dma_semaphore, #tpu.memory_space<semaphore_mem>>
      %dma_start3A_7 = tpu.memref_slice %arg3[%mul3A_2] : memref<2048xi32, #tpu.memory_space<hbm>> -> memref<64xi32, #tpu.memory_space<hbm>>
      %dma_start3A_8 = tpu.memref_slice %arg3[%mul3A_2] : memref<2048xi32, #tpu.memory_space<hbm>> -> memref<64xi32, #tpu.memory_space<hbm>>
      tpu.enqueue_dma source(%dma_start3A_8 : memref<64xi32, #tpu.memory_space<hbm>>) target(%arg5 : memref<64xi32, #tpu.memory_space<vmem>>) target_semaphore(%run_scoped3A : memref<!tpu.dma_semaphore, #tpu.memory_space<semaphore_mem>>)
      %dma_wait3A_9 = tpu.memref_slice %arg3[%mul3A_2] : memref<2048xi32, #tpu.memory_space<hbm>> -> memref<64xi32, #tpu.memory_space<hbm>>
      %dma_wait3A_10 = tpu.memref_slice %arg3[%mul3A_2] : memref<2048xi32, #tpu.memory_space<hbm>> -> memref<64xi32, #tpu.memory_space<hbm>>
      tpu.wait_dma2 semaphore(%run_scoped3A : memref<!tpu.dma_semaphore, #tpu.memory_space<semaphore_mem>>) src(%dma_wait3A_10 : memref<64xi32, #tpu.memory_space<hbm>>) dst(%arg5 : memref<64xi32, #tpu.memory_space<vmem>>)
      tpu.yield
    }) : () -> ()
    %dma_start3A = arith.constant 0 : i32
    %dma_start3A_3 = arith.constant 0 : i32
    %dma_start3A_4 = tpu.memref_slice %arg2[%dma_start3A, %dma_start3A_3] : memref<2176x256xf32, #tpu.memory_space<hbm>> -> memref<2176x256xf32, #tpu.memory_space<hbm>>
    tpu.enqueue_indirect_dma source(%dma_start3A_4 : memref<2176x256xf32, #tpu.memory_space<hbm>>) target(%arg6 : memref<64x256xf32, #tpu.memory_space<vmem>>) offsets(%arg5 : memref<64xi32, #tpu.memory_space<vmem>>) semaphore(%arg7 : memref<!tpu.dma_semaphore, #tpu.memory_space<semaphore_mem>>)
    %dma_wait3A = arith.constant 0 : i32
    %dma_wait3A_5 = arith.constant 0 : i32
    %dma_wait3A_6 = tpu.memref_slice %arg2[%dma_wait3A, %dma_wait3A_5] : memref<2176x256xf32, #tpu.memory_space<hbm>> -> memref<2176x256xf32, #tpu.memory_space<hbm>>
    tpu.wait_indirect_dma semaphore(%arg7 : memref<!tpu.dma_semaphore, #tpu.memory_space<semaphore_mem>>) src(%dma_wait3A_6 : memref<2176x256xf32, #tpu.memory_space<hbm>>) dst(%arg6 : memref<64x256xf32, #tpu.memory_space<vmem>>)
    "tpu.region"() ({
      %run_scoped3A = tpu.sem_alloc : memref<!tpu.dma_semaphore, #tpu.memory_space<semaphore_mem>>
      %dma_start3A_7 = arith.constant 0 : i32
      %dma_start3A_8 = tpu.memref_slice %arg4[%mul3A_2, %dma_start3A_7] : memref<2048x256xf32, #tpu.memory_space<hbm>> -> memref<64x256xf32, #tpu.memory_space<hbm>>
      %dma_start3A_9 = arith.constant 0 : i32
      %dma_start3A_10 = tpu.memref_slice %arg4[%mul3A_2, %dma_start3A_9] : memref<2048x256xf32, #tpu.memory_space<hbm>> -> memref<64x256xf32, #tpu.memory_space<hbm>>
      tpu.enqueue_dma source(%arg6 : memref<64x256xf32, #tpu.memory_space<vmem>>) target(%dma_start3A_10 : memref<64x256xf32, #tpu.memory_space<hbm>>) target_semaphore(%run_scoped3A : memref<!tpu.dma_semaphore, #tpu.memory_space<semaphore_mem>>)
      %dma_wait3A_11 = arith.constant 0 : i32
      %dma_wait3A_12 = tpu.memref_slice %arg4[%mul3A_2, %dma_wait3A_11] : memref<2048x256xf32, #tpu.memory_space<hbm>> -> memref<64x256xf32, #tpu.memory_space<hbm>>
      %dma_wait3A_13 = arith.constant 0 : i32
      %dma_wait3A_14 = tpu.memref_slice %arg4[%mul3A_2, %dma_wait3A_13] : memref<2048x256xf32, #tpu.memory_space<hbm>> -> memref<64x256xf32, #tpu.memory_space<hbm>>
      tpu.wait_dma2 semaphore(%run_scoped3A : memref<!tpu.dma_semaphore, #tpu.memory_space<semaphore_mem>>) src(%arg6 : memref<64x256xf32, #tpu.memory_space<vmem>>) dst(%dma_wait3A_14 : memref<64x256xf32, #tpu.memory_space<hbm>>)
      tpu.yield
    }) : () -> ()
    return
  }
}

#map = affine_map<(d0) -> (0)>
module attributes {stable_mosaic.version = 14 : i64} {
  func.func @idx_kernel(%arg0: i32, %arg1: memref<2048xi32, #tpu.memory_space<hbm>>, %arg2: memref<2048xi32, #tpu.memory_space<hbm>>, %arg3: memref<256xi32, #tpu.memory_space<smem>>, %arg4: memref<256xi32, #tpu.memory_space<smem>>, %arg5: memref<!tpu.dma_semaphore, #tpu.memory_space<semaphore_mem>>) attributes {dimension_semantics = [#tpu.dimension_semantics<core_parallel>], iteration_bounds = array<i64: 2>, scalar_prefetch = 0 : i64, scratch_operands = 3 : i64, tpu.core_type = #tpu.core_type<sc_scalar_subcore>, window_params = [{transform_indices = #map}, {transform_indices = #map}]} {
    %scan3A = arith.constant 0 : i32
    %scan3A_0 = arith.constant 4 : i32
    %scan3A_1 = arith.addi %scan3A, %scan3A_0 : i32
    %scan3A_2 = arith.constant 1 : i32
    scf.for %scan3A_4 = %scan3A to %scan3A_1 step %scan3A_2  : i32 {
      %mul3A = arith.constant 1 : i32
      %mul3A_5 = arith.muli %scan3A_4, %mul3A : i32
      %add3A = arith.constant 0 : i32
      %add3A_6 = arith.addi %add3A, %mul3A_5 : i32
      %mul3A_7 = arith.constant 4 : i32
      %mul3A_8 = arith.muli %arg0, %mul3A_7 : i32
      %add3A_9 = arith.addi %mul3A_8, %add3A_6 : i32
      %mul3A_10 = arith.constant 256 : i32
      %mul3A_11 = arith.muli %add3A_9, %mul3A_10 : i32
      %dma_start3A = tpu.memref_slice %arg1[%mul3A_11] : memref<2048xi32, #tpu.memory_space<hbm>> -> memref<256xi32, #tpu.memory_space<hbm>>
      tpu.enqueue_dma source(%dma_start3A : memref<256xi32, #tpu.memory_space<hbm>>) target(%arg3 : memref<256xi32, #tpu.memory_space<smem>>) target_semaphore(%arg5 : memref<!tpu.dma_semaphore, #tpu.memory_space<semaphore_mem>>)
      %dma_wait3A = tpu.memref_slice %arg1[%mul3A_11] : memref<2048xi32, #tpu.memory_space<hbm>> -> memref<256xi32, #tpu.memory_space<hbm>>
      tpu.wait_dma2 semaphore(%arg5 : memref<!tpu.dma_semaphore, #tpu.memory_space<semaphore_mem>>) src(%dma_wait3A : memref<256xi32, #tpu.memory_space<hbm>>) dst(%arg3 : memref<256xi32, #tpu.memory_space<smem>>)
      %scan3A_12 = arith.constant 0 : i32
      %scan3A_13 = arith.constant 0 : i32
      %scan3A_14 = arith.constant 256 : i32
      %scan3A_15 = arith.addi %scan3A_13, %scan3A_14 : i32
      %scan3A_16 = arith.constant 1 : i32
      %scan3A_17 = scf.for %scan3A_23 = %scan3A_13 to %scan3A_15 step %scan3A_16 iter_args(%scan3A_24 = %scan3A_12) -> (i32)  : i32 {
        %get3A = arith.index_cast %scan3A_23 : i32 to index
        %get3A_25 = memref.load %arg3[%get3A] : memref<256xi32, #tpu.memory_space<smem>>
        %ne3A = arith.constant 0 : i32
        %ne3A_26 = arith.cmpi ne, %get3A_25, %ne3A : i32
        %mul3A_27 = arith.constant 256 : i32
        %mul3A_28 = arith.muli %add3A_9, %mul3A_27 : i32
        %add3A_29 = arith.addi %mul3A_28, %scan3A_24 : i32
        %jit3A = arith.constant 2048 : i32
        %select_n3A = arith.select %ne3A_26, %add3A_29, %jit3A : i32
        %swap3A = arith.index_cast %scan3A_23 : i32 to index
        %swap3A_30 = memref.load %arg4[%swap3A] : memref<256xi32, #tpu.memory_space<smem>>
        memref.store %select_n3A, %arg4[%swap3A] : memref<256xi32, #tpu.memory_space<smem>>
        %convert_element_type3A = arith.extui %ne3A_26 : i1 to i32
        %add3A_31 = arith.addi %scan3A_24, %convert_element_type3A : i32
        scf.yield %add3A_31 : i32
      }
      %scan3A_18 = arith.constant 256 : i32
      %mul3A_19 = arith.constant 256 : i32
      %mul3A_20 = arith.muli %add3A_9, %mul3A_19 : i32
      %dma_start3A_21 = tpu.memref_slice %arg2[%mul3A_20] : memref<2048xi32, #tpu.memory_space<hbm>> -> memref<256xi32, #tpu.memory_space<hbm>>
      tpu.enqueue_dma source(%arg4 : memref<256xi32, #tpu.memory_space<smem>>) target(%dma_start3A_21 : memref<256xi32, #tpu.memory_space<hbm>>) target_semaphore(%arg5 : memref<!tpu.dma_semaphore, #tpu.memory_space<semaphore_mem>>)
      %dma_wait3A_22 = tpu.memref_slice %arg2[%mul3A_20] : memref<2048xi32, #tpu.memory_space<hbm>> -> memref<256xi32, #tpu.memory_space<hbm>>
      tpu.wait_dma2 semaphore(%arg5 : memref<!tpu.dma_semaphore, #tpu.memory_space<semaphore_mem>>) src(%arg4 : memref<256xi32, #tpu.memory_space<smem>>) dst(%dma_wait3A_22 : memref<256xi32, #tpu.memory_space<hbm>>)
    }
    %scan3A_3 = arith.constant 4 : i32
    return
  }
}

module attributes {stable_mosaic.version = 14 : i64} {
  func.func @_tc_body(%arg0: i32, %arg1: memref<1x1x1024xf32, #tpu.memory_space<vmem>>, %arg2: memref<1x2048x128xf32, #tpu.memory_space<vmem>>, %arg3: memref<1x2048x128xf32, #tpu.memory_space<vmem>>, %arg4: memref<1x1024x1024xf32, #tpu.memory_space<vmem>>, %arg5: memref<1x1024x1024xf32, #tpu.memory_space<vmem>>, %arg6: memref<1024x128xf32, #tpu.memory_space<vmem>>, %arg7: memref<1x128xf32, #tpu.memory_space<vmem>>, %arg8: memref<128x128xf32, #tpu.memory_space<vmem>>, %arg9: memref<1024x128xf32, #tpu.memory_space<vmem>>, %arg10: memref<1x128xf32, #tpu.memory_space<vmem>>, %arg11: memref<128x128xf32, #tpu.memory_space<vmem>>, %arg12: memref<128x256xf32, #tpu.memory_space<vmem>>, %arg13: memref<8x1024xf32, #tpu.memory_space<vmem>>, %arg14: memref<1x128xf32, #tpu.memory_space<vmem>>) attributes {dimension_semantics = [#tpu.dimension_semantics<arbitrary>], iteration_bounds = array<i64: 17>, scalar_prefetch = 0 : i64, scratch_operands = 2 : i64, tpu.core_type = #tpu.core_type<tc>, window_params = [{transform_indices = @transform_0, window_bounds = array<i64: 1, 1, 1024>}, {transform_indices = @transform_1, window_bounds = array<i64: 1, 2048, 128>}, {transform_indices = @transform_2, window_bounds = array<i64: 1, 2048, 128>}, {transform_indices = @transform_3, window_bounds = array<i64: 1, 1024, 1024>}, {transform_indices = @transform_4, window_bounds = array<i64: 1, 1024, 1024>}, {pipeline_mode = #tpu.pipeline_mode<synchronous>, transform_indices = @transform_5, window_bounds = array<i64: 1024, 128>}, {pipeline_mode = #tpu.pipeline_mode<synchronous>, transform_indices = @transform_6, window_bounds = array<i64: 1, 128>}, {pipeline_mode = #tpu.pipeline_mode<synchronous>, transform_indices = @transform_7, window_bounds = array<i64: 128, 128>}, {pipeline_mode = #tpu.pipeline_mode<synchronous>, transform_indices = @transform_8, window_bounds = array<i64: 1024, 128>}, {pipeline_mode = #tpu.pipeline_mode<synchronous>, transform_indices = @transform_9, window_bounds = array<i64: 1, 128>}, {pipeline_mode = #tpu.pipeline_mode<synchronous>, transform_indices = @transform_10, window_bounds = array<i64: 128, 128>}, {transform_indices = @transform_11, window_bounds = array<i64: 128, 256>}]} {
    %jit3A = arith.constant 2 : i32
    %eq3A = arith.constant 0 : i32
    %eq3A_0 = arith.cmpi eq, %jit3A, %eq3A : i32
    %jit3A_1 = arith.constant 1 : i32
    %select_n3A = arith.select %eq3A_0, %jit3A_1, %jit3A : i32
    %rem3A = arith.remsi %arg0, %select_n3A : i32
    %ne3A = arith.constant 0 : i32
    %ne3A_2 = arith.cmpi ne, %rem3A, %ne3A : i32
    %lt3A = arith.constant 0 : i32
    %lt3A_3 = arith.cmpi slt, %rem3A, %lt3A : i32
    %lt3A_4 = arith.constant 0 : i32
    %lt3A_5 = arith.cmpi slt, %select_n3A, %lt3A_4 : i32
    %ne3A_6 = arith.xori %lt3A_3, %lt3A_5 : i1
    %and3A = arith.andi %ne3A_6, %ne3A_2 : i1
    %add3A = arith.addi %rem3A, %select_n3A : i32
    %select_n3A_7 = arith.select %and3A, %add3A, %rem3A : i32
    %eq3A_8 = arith.constant 0 : i32
    %eq3A_9 = arith.cmpi eq, %select_n3A_7, %eq3A_8 : i32
    %lt3A_10 = arith.constant 16 : i32
    %lt3A_11 = arith.cmpi slt, %arg0, %lt3A_10 : i32
    %and3A_12 = arith.andi %eq3A_9, %lt3A_11 : i1
    %convert_element_type3A = arith.extui %and3A_12 : i1 to i32
    %cond3A = arith.constant 0 : i32
    %cond3A_13 = arith.cmpi ne, %convert_element_type3A, %cond3A : i32
    scf.if %cond3A_13 {
      %get3A = arith.constant 0 : index
      %get3A_24 = arith.constant 0 : index
      %get3A_25 = arith.constant 0 : index
      %get3A_26 = vector.load %arg1[%get3A, %get3A_24, %get3A_25] : memref<1x1x1024xf32, #tpu.memory_space<vmem>>, vector<1x1x1024xf32>
      %reshape3A = vector.shape_cast %get3A_26 : vector<1x1x1024xf32> to vector<1x1024xf32>
      %get3A_27 = arith.constant 0 : index
      %get3A_28 = arith.constant 0 : index
      %get3A_29 = vector.load %arg6[%get3A_27, %get3A_28] : memref<1024x128xf32, #tpu.memory_space<vmem>>, vector<1024x128xf32>
      %dot_general3A = arith.constant dense<0.000000e+00> : vector<1x128xf32>
      %dot_general3A_30 = tpu.matmul %reshape3A, %get3A_29, %dot_general3A {dimension_numbers = #tpu.dot_dimension_numbers<[1], [0], [0], [1], [0, 0, 1, 1], [], []>, precision = #tpu.contract_precision<fp32>, transpose_lhs_hint = false} : vector<1x1024xf32>, vector<1024x128xf32>, vector<1x128xf32> -> vector<1x128xf32>
      %get3A_31 = arith.constant 0 : index
      %get3A_32 = arith.constant 0 : index
      %get3A_33 = vector.load %arg7[%get3A_31, %get3A_32] : memref<1x128xf32, #tpu.memory_space<vmem>>, vector<1x128xf32>
      %add3A_34 = arith.addf %dot_general3A_30, %get3A_33 : vector<1x128xf32>
      %tanh3A = math.tanh %add3A_34 : vector<1x128xf32>
      %get3A_35 = arith.constant 0 : index
      %get3A_36 = arith.constant 0 : index
      %get3A_37 = vector.load %arg8[%get3A_35, %get3A_36] : memref<128x128xf32, #tpu.memory_space<vmem>>, vector<128x128xf32>
      %dot_general3A_38 = arith.constant dense<0.000000e+00> : vector<1x128xf32>
      %dot_general3A_39 = tpu.matmul %tanh3A, %get3A_37, %dot_general3A_38 {dimension_numbers = #tpu.dot_dimension_numbers<[1], [1], [0], [0], [0, 0, 1, 0], [], []>, precision = #tpu.contract_precision<fp32>, transpose_lhs_hint = false} : vector<1x128xf32>, vector<128x128xf32>, vector<1x128xf32> -> vector<1x128xf32>
      %concatenate3A = tpu.concatenate %dot_general3A_39, %dot_general3A_39, %dot_general3A_39, %dot_general3A_39, %dot_general3A_39, %dot_general3A_39, %dot_general3A_39, %dot_general3A_39 in 1 : vector<1x128xf32>, vector<1x128xf32>, vector<1x128xf32>, vector<1x128xf32>, vector<1x128xf32>, vector<1x128xf32>, vector<1x128xf32>, vector<1x128xf32> -> vector<1x1024xf32>
      %iota3A = tpu.iota {dimensions = array<i32: 1>} : vector<8x1024xi32>
      %jit3A_40 = arith.constant 128 : i32
      %div3A = vector.broadcast %jit3A_40 : i32 to vector<8x1024xi32>
      %div3A_41 = arith.divsi %iota3A, %div3A : vector<8x1024xi32>
      %sign3A = arith.constant 0 : i32
      %sign3A_42 = vector.broadcast %sign3A : i32 to vector<8x1024xi32>
      %sign3A_43 = arith.cmpi sgt, %iota3A, %sign3A_42 : vector<8x1024xi32>
      %sign3A_44 = arith.extui %sign3A_43 : vector<8x1024xi1> to vector<8x1024xi32>
      %sign3A_45 = arith.constant 0 : i32
      %sign3A_46 = vector.broadcast %sign3A_45 : i32 to vector<8x1024xi32>
      %sign3A_47 = arith.cmpi slt, %iota3A, %sign3A_46 : vector<8x1024xi32>
      %sign3A_48 = arith.extui %sign3A_47 : vector<8x1024xi1> to vector<8x1024xi32>
      %sign3A_49 = arith.subi %sign3A_44, %sign3A_48 : vector<8x1024xi32>
      %sign3A_50 = arith.constant 0 : i32
      %sign3A_51 = arith.cmpi sgt, %jit3A_40, %sign3A_50 : i32
      %sign3A_52 = arith.extui %sign3A_51 : i1 to i32
      %sign3A_53 = arith.constant 0 : i32
      %sign3A_54 = arith.cmpi slt, %jit3A_40, %sign3A_53 : i32
      %sign3A_55 = arith.extui %sign3A_54 : i1 to i32
      %sign3A_56 = arith.subi %sign3A_52, %sign3A_55 : i32
      %ne3A_57 = vector.broadcast %sign3A_56 : i32 to vector<8x1024xi32>
      %ne3A_58 = arith.cmpi ne, %sign3A_49, %ne3A_57 : vector<8x1024xi32>
      %rem3A_59 = vector.broadcast %jit3A_40 : i32 to vector<8x1024xi32>
      %rem3A_60 = arith.remsi %iota3A, %rem3A_59 : vector<8x1024xi32>
      %ne3A_61 = arith.constant 0 : i32
      %ne3A_62 = vector.broadcast %ne3A_61 : i32 to vector<8x1024xi32>
      %ne3A_63 = arith.cmpi ne, %rem3A_60, %ne3A_62 : vector<8x1024xi32>
      %and3A_64 = arith.andi %ne3A_58, %ne3A_63 : vector<8x1024xi1>
      %sub3A = arith.constant 1 : i32
      %sub3A_65 = vector.broadcast %sub3A : i32 to vector<8x1024xi32>
      %sub3A_66 = arith.subi %div3A_41, %sub3A_65 : vector<8x1024xi32>
      %select_n3A_67 = arith.select %and3A_64, %sub3A_66, %div3A_41 : vector<8x1024xi1>, vector<8x1024xi32>
      %iota3A_68 = tpu.iota {dimensions = array<i32: 0>} : vector<8x1024xi32>
      %eq3A_69 = arith.cmpi eq, %select_n3A_67, %iota3A_68 : vector<8x1024xi32>
      %broadcast_in_dim3A = vector.shape_cast %concatenate3A : vector<1x1024xf32> to vector<1x1024xf32>
      %broadcast_in_dim3A_70 = vector.broadcast %broadcast_in_dim3A : vector<1x1024xf32> to vector<8x1024xf32>
      %jit3A_71 = arith.constant 0.000000e+00 : f32
      %broadcast_in_dim3A_72 = vector.broadcast %jit3A_71 : f32 to vector<8x1024xf32>
      %select_n3A_73 = arith.select %eq3A_69, %broadcast_in_dim3A_70, %broadcast_in_dim3A_72 : vector<8x1024xi1>, vector<8x1024xf32>
      %swap3A = arith.constant 0 : index
      %swap3A_74 = arith.constant 0 : index
      %swap3A_75 = vector.load %arg13[%swap3A, %swap3A_74] : memref<8x1024xf32, #tpu.memory_space<vmem>>, vector<8x1024xf32>
      tpu.vector_store %arg13[%swap3A, %swap3A_74], %select_n3A_73 {strides = array<i32>} : memref<8x1024xf32, #tpu.memory_space<vmem>>, vector<8x1024xf32>,
      %get3A_76 = arith.constant 0 : index
      %get3A_77 = arith.constant 0 : index
      %get3A_78 = vector.load %arg9[%get3A_76, %get3A_77] : memref<1024x128xf32, #tpu.memory_space<vmem>>, vector<1024x128xf32>
      %dot_general3A_79 = arith.constant dense<0.000000e+00> : vector<1x128xf32>
      %dot_general3A_80 = tpu.matmul %reshape3A, %get3A_78, %dot_general3A_79 {dimension_numbers = #tpu.dot_dimension_numbers<[1], [0], [0], [1], [0, 0, 1, 1], [], []>, precision = #tpu.contract_precision<fp32>, transpose_lhs_hint = false} : vector<1x1024xf32>, vector<1024x128xf32>, vector<1x128xf32> -> vector<1x128xf32>
      %get3A_81 = arith.constant 0 : index
      %get3A_82 = arith.constant 0 : index
      %get3A_83 = vector.load %arg10[%get3A_81, %get3A_82] : memref<1x128xf32, #tpu.memory_space<vmem>>, vector<1x128xf32>
      %add3A_84 = arith.addf %dot_general3A_80, %get3A_83 : vector<1x128xf32>
      %tanh3A_85 = math.tanh %add3A_84 : vector<1x128xf32>
      %get3A_86 = arith.constant 0 : index
      %get3A_87 = arith.constant 0 : index
      %get3A_88 = vector.load %arg11[%get3A_86, %get3A_87] : memref<128x128xf32, #tpu.memory_space<vmem>>, vector<128x128xf32>
      %dot_general3A_89 = arith.constant dense<0.000000e+00> : vector<1x128xf32>
      %dot_general3A_90 = tpu.matmul %tanh3A_85, %get3A_88, %dot_general3A_89 {dimension_numbers = #tpu.dot_dimension_numbers<[1], [1], [0], [0], [0, 0, 1, 0], [], []>, precision = #tpu.contract_precision<fp32>, transpose_lhs_hint = false} : vector<1x128xf32>, vector<128x128xf32>, vector<1x128xf32> -> vector<1x128xf32>
      %swap3A_91 = arith.constant 0 : index
      %swap3A_92 = arith.constant 0 : index
      %swap3A_93 = vector.load %arg14[%swap3A_91, %swap3A_92] : memref<1x128xf32, #tpu.memory_space<vmem>>, vector<1x128xf32>
      tpu.vector_store %arg14[%swap3A_91, %swap3A_92], %dot_general3A_90 {strides = array<i32>} : memref<1x128xf32, #tpu.memory_space<vmem>>, vector<1x128xf32>,
    } else {
    }
    %lt3A_14 = arith.constant 16 : i32
    %lt3A_15 = arith.cmpi slt, %arg0, %lt3A_14 : i32
    %convert_element_type3A_16 = arith.extui %lt3A_15 : i1 to i32
    %cond3A_17 = arith.constant 0 : i32
    %cond3A_18 = arith.cmpi ne, %convert_element_type3A_16, %cond3A_17 : i32
    scf.if %cond3A_18 {
      %get3A = arith.constant 0 : index
      %get3A_24 = arith.constant 0 : index
      %get3A_25 = arith.constant 0 : index
      %get3A_26 = vector.load %arg4[%get3A, %get3A_24, %get3A_25] : memref<1x1024x1024xf32, #tpu.memory_space<vmem>>, vector<1x1024x1024xf32>
      %reshape3A = vector.shape_cast %get3A_26 : vector<1x1024x1024xf32> to vector<1024x1024xf32>
      %get3A_27 = arith.constant 0 : index
      %get3A_28 = arith.constant 0 : index
      %get3A_29 = vector.load %arg13[%get3A_27, %get3A_28] : memref<8x1024xf32, #tpu.memory_space<vmem>>, vector<8x1024xf32>
      %dot_general3A = arith.constant dense<0.000000e+00> : vector<1024x8xf32>
      %dot_general3A_30 = tpu.matmul %reshape3A, %get3A_29, %dot_general3A {dimension_numbers = #tpu.dot_dimension_numbers<[1], [1], [0], [0], [0, 0, 1, 0], [], []>, transpose_lhs_hint = false} : vector<1024x1024xf32>, vector<8x1024xf32>, vector<1024x8xf32> -> vector<1024x8xf32>
      %mul3A = arith.constant 0.0883883461 : f32
      %mul3A_31 = vector.broadcast %mul3A : f32 to vector<1024x8xf32>
      %mul3A_32 = arith.mulf %dot_general3A_30, %mul3A_31 : vector<1024x8xf32>
      %eq3A_33 = arith.constant 0.000000e+00 : f32
      %eq3A_34 = vector.broadcast %eq3A_33 : f32 to vector<1024x8xf32>
      %eq3A_35 = arith.cmpf oeq, %mul3A_32, %eq3A_34 : vector<1024x8xf32>
      %jit3A_36 = arith.constant -1.000000e+04 : f32
      %broadcast_in_dim3A = vector.broadcast %jit3A_36 : f32 to vector<1024x8xf32>
      %select_n3A_37 = arith.select %eq3A_35, %broadcast_in_dim3A, %mul3A_32 : vector<1024x8xi1>, vector<1024x8xf32>
      %ge3A = arith.constant 0.000000e+00 : f32
      %ge3A_38 = vector.broadcast %ge3A : f32 to vector<1024x8xf32>
      %ge3A_39 = arith.cmpf oge, %select_n3A_37, %ge3A_38 : vector<1024x8xf32>
      %mul3A_40 = arith.constant 0.00999999977 : f32
      %mul3A_41 = vector.broadcast %mul3A_40 : f32 to vector<1024x8xf32>
      %mul3A_42 = arith.mulf %mul3A_41, %select_n3A_37 : vector<1024x8xf32>
      %select_n3A_43 = arith.select %ge3A_39, %select_n3A_37, %mul3A_42 : vector<1024x8xi1>, vector<1024x8xf32>
      %reduce_max3A = arith.constant dense<0xFF800000> : vector<1024xf32>
      %reduce_max3A_44 = vector.multi_reduction <maximumf>, %select_n3A_43, %reduce_max3A [1] : vector<1024x8xf32> to vector<1024xf32>
      %broadcast_in_dim3A_45 = vector.shape_cast %reduce_max3A_44 : vector<1024xf32> to vector<1024x1xf32>
      %sub3A = vector.broadcast %broadcast_in_dim3A_45 : vector<1024x1xf32> to vector<1024x8xf32>
      %sub3A_46 = arith.subf %select_n3A_43, %sub3A : vector<1024x8xf32>
      %exp3A = math.exp %sub3A_46 : vector<1024x8xf32>
      %reduce_sum3A = arith.constant dense<0.000000e+00> : vector<1024xf32>
      %reduce_sum3A_47 = vector.multi_reduction <add>, %exp3A, %reduce_sum3A [1] : vector<1024x8xf32> to vector<1024xf32>
      %broadcast_in_dim3A_48 = vector.shape_cast %reduce_sum3A_47 : vector<1024xf32> to vector<1024x1xf32>
      %div3A = vector.broadcast %broadcast_in_dim3A_48 : vector<1024x1xf32> to vector<1024x8xf32>
      %div3A_49 = arith.divf %exp3A, %div3A : vector<1024x8xf32>
      %eq3A_50 = arith.constant 1.250000e-01 : f32
      %eq3A_51 = vector.broadcast %eq3A_50 : f32 to vector<1024x8xf32>
      %eq3A_52 = arith.cmpf oeq, %div3A_49, %eq3A_51 : vector<1024x8xf32>
      %jit3A_53 = arith.constant 0.000000e+00 : f32
      %broadcast_in_dim3A_54 = vector.broadcast %jit3A_53 : f32 to vector<1024x8xf32>
      %select_n3A_55 = arith.select %eq3A_52, %broadcast_in_dim3A_54, %div3A_49 : vector<1024x8xi1>, vector<1024x8xf32>
      %slice3A = vector.extract_strided_slice %select_n3A_55 {offsets = [0, 0], sizes = [1024, 1], strides = [1, 1]} : vector<1024x8xf32> to vector<1024x1xf32>
      %broadcast_in_dim3A_56 = vector.shape_cast %slice3A : vector<1024x1xf32> to vector<1024x1xf32>
      %broadcast_in_dim3A_57 = vector.broadcast %broadcast_in_dim3A_56 : vector<1024x1xf32> to vector<1024x128xf32>
      %slice3A_58 = vector.extract_strided_slice %select_n3A_55 {offsets = [0, 1], sizes = [1024, 1], strides = [1, 1]} : vector<1024x8xf32> to vector<1024x1xf32>
      %broadcast_in_dim3A_59 = vector.shape_cast %slice3A_58 : vector<1024x1xf32> to vector<1024x1xf32>
      %broadcast_in_dim3A_60 = vector.broadcast %broadcast_in_dim3A_59 : vector<1024x1xf32> to vector<1024x128xf32>
      %slice3A_61 = vector.extract_strided_slice %select_n3A_55 {offsets = [0, 2], sizes = [1024, 1], strides = [1, 1]} : vector<1024x8xf32> to vector<1024x1xf32>
      %broadcast_in_dim3A_62 = vector.shape_cast %slice3A_61 : vector<1024x1xf32> to vector<1024x1xf32>
      %broadcast_in_dim3A_63 = vector.broadcast %broadcast_in_dim3A_62 : vector<1024x1xf32> to vector<1024x128xf32>
      %slice3A_64 = vector.extract_strided_slice %select_n3A_55 {offsets = [0, 3], sizes = [1024, 1], strides = [1, 1]} : vector<1024x8xf32> to vector<1024x1xf32>
      %broadcast_in_dim3A_65 = vector.shape_cast %slice3A_64 : vector<1024x1xf32> to vector<1024x1xf32>
      %broadcast_in_dim3A_66 = vector.broadcast %broadcast_in_dim3A_65 : vector<1024x1xf32> to vector<1024x128xf32>
      %slice3A_67 = vector.extract_strided_slice %select_n3A_55 {offsets = [0, 4], sizes = [1024, 1], strides = [1, 1]} : vector<1024x8xf32> to vector<1024x1xf32>
      %broadcast_in_dim3A_68 = vector.shape_cast %slice3A_67 : vector<1024x1xf32> to vector<1024x1xf32>
      %broadcast_in_dim3A_69 = vector.broadcast %broadcast_in_dim3A_68 : vector<1024x1xf32> to vector<1024x128xf32>
      %slice3A_70 = vector.extract_strided_slice %select_n3A_55 {offsets = [0, 5], sizes = [1024, 1], strides = [1, 1]} : vector<1024x8xf32> to vector<1024x1xf32>
      %broadcast_in_dim3A_71 = vector.shape_cast %slice3A_70 : vector<1024x1xf32> to vector<1024x1xf32>
      %broadcast_in_dim3A_72 = vector.broadcast %broadcast_in_dim3A_71 : vector<1024x1xf32> to vector<1024x128xf32>
      %slice3A_73 = vector.extract_strided_slice %select_n3A_55 {offsets = [0, 6], sizes = [1024, 1], strides = [1, 1]} : vector<1024x8xf32> to vector<1024x1xf32>
      %broadcast_in_dim3A_74 = vector.shape_cast %slice3A_73 : vector<1024x1xf32> to vector<1024x1xf32>
      %broadcast_in_dim3A_75 = vector.broadcast %broadcast_in_dim3A_74 : vector<1024x1xf32> to vector<1024x128xf32>
      %slice3A_76 = vector.extract_strided_slice %select_n3A_55 {offsets = [0, 7], sizes = [1024, 1], strides = [1, 1]} : vector<1024x8xf32> to vector<1024x1xf32>
      %broadcast_in_dim3A_77 = vector.shape_cast %slice3A_76 : vector<1024x1xf32> to vector<1024x1xf32>
      %broadcast_in_dim3A_78 = vector.broadcast %broadcast_in_dim3A_77 : vector<1024x1xf32> to vector<1024x128xf32>
      %concatenate3A = tpu.concatenate %broadcast_in_dim3A_57, %broadcast_in_dim3A_60, %broadcast_in_dim3A_63, %broadcast_in_dim3A_66, %broadcast_in_dim3A_69, %broadcast_in_dim3A_72, %broadcast_in_dim3A_75, %broadcast_in_dim3A_78 in 1 : vector<1024x128xf32>, vector<1024x128xf32>, vector<1024x128xf32>, vector<1024x128xf32>, vector<1024x128xf32>, vector<1024x128xf32>, vector<1024x128xf32>, vector<1024x128xf32> -> vector<1024x1024xf32>
      %get3A_79 = arith.constant 0 : index
      %get3A_80 = arith.constant 0 : index
      %get3A_81 = arith.constant 0 : index
      %get3A_82 = vector.load %arg5[%get3A_79, %get3A_80, %get3A_81] : memref<1x1024x1024xf32, #tpu.memory_space<vmem>>, vector<1x1024x1024xf32>
      %reshape3A_83 = vector.shape_cast %get3A_82 : vector<1x1024x1024xf32> to vector<1024x1024xf32>
      %mul3A_84 = arith.mulf %reshape3A_83, %concatenate3A : vector<1024x1024xf32>
      %slice3A_85 = vector.extract_strided_slice %mul3A_84 {offsets = [0, 0], sizes = [1024, 128], strides = [1, 1]} : vector<1024x1024xf32> to vector<1024x128xf32>
      %slice3A_86 = vector.extract_strided_slice %mul3A_84 {offsets = [0, 128], sizes = [1024, 128], strides = [1, 1]} : vector<1024x1024xf32> to vector<1024x128xf32>
      %add3A_87 = arith.addf %slice3A_85, %slice3A_86 : vector<1024x128xf32>
      %slice3A_88 = vector.extract_strided_slice %mul3A_84 {offsets = [0, 256], sizes = [1024, 128], strides = [1, 1]} : vector<1024x1024xf32> to vector<1024x128xf32>
      %slice3A_89 = vector.extract_strided_slice %mul3A_84 {offsets = [0, 384], sizes = [1024, 128], strides = [1, 1]} : vector<1024x1024xf32> to vector<1024x128xf32>
      %add3A_90 = arith.addf %slice3A_88, %slice3A_89 : vector<1024x128xf32>
      %add3A_91 = arith.addf %add3A_87, %add3A_90 : vector<1024x128xf32>
      %slice3A_92 = vector.extract_strided_slice %mul3A_84 {offsets = [0, 512], sizes = [1024, 128], strides = [1, 1]} : vector<1024x1024xf32> to vector<1024x128xf32>
      %slice3A_93 = vector.extract_strided_slice %mul3A_84 {offsets = [0, 640], sizes = [1024, 128], strides = [1, 1]} : vector<1024x1024xf32> to vector<1024x128xf32>
      %add3A_94 = arith.addf %slice3A_92, %slice3A_93 : vector<1024x128xf32>
      %slice3A_95 = vector.extract_strided_slice %mul3A_84 {offsets = [0, 768], sizes = [1024, 128], strides = [1, 1]} : vector<1024x1024xf32> to vector<1024x128xf32>
      %slice3A_96 = vector.extract_strided_slice %mul3A_84 {offsets = [0, 896], sizes = [1024, 128], strides = [1, 1]} : vector<1024x1024xf32> to vector<1024x128xf32>
      %add3A_97 = arith.addf %slice3A_95, %slice3A_96 : vector<1024x128xf32>
      %add3A_98 = arith.addf %add3A_94, %add3A_97 : vector<1024x128xf32>
      %add3A_99 = arith.addf %add3A_91, %add3A_98 : vector<1024x128xf32>
      %jit3A_100 = arith.constant 2 : i32
      %eq3A_101 = arith.constant 0 : i32
      %eq3A_102 = arith.cmpi eq, %jit3A_100, %eq3A_101 : i32
      %jit3A_103 = arith.constant 1 : i32
      %select_n3A_104 = arith.select %eq3A_102, %jit3A_103, %jit3A_100 : i32
      %rem3A_105 = arith.remsi %arg0, %select_n3A_104 : i32
      %ne3A_106 = arith.constant 0 : i32
      %ne3A_107 = arith.cmpi ne, %rem3A_105, %ne3A_106 : i32
      %lt3A_108 = arith.constant 0 : i32
      %lt3A_109 = arith.cmpi slt, %rem3A_105, %lt3A_108 : i32
      %lt3A_110 = arith.constant 0 : i32
      %lt3A_111 = arith.cmpi slt, %select_n3A_104, %lt3A_110 : i32
      %ne3A_112 = arith.xori %lt3A_109, %lt3A_111 : i1
      %and3A_113 = arith.andi %ne3A_112, %ne3A_107 : i1
      %add3A_114 = arith.addi %rem3A_105, %select_n3A_104 : i32
      %select_n3A_115 = arith.select %and3A_113, %add3A_114, %rem3A_105 : i32
      %mul3A_116 = arith.constant 128 : i32
      %mul3A_117 = arith.muli %select_n3A_115, %mul3A_116 : i32
      %mul3A_118 = arith.constant 8 : i32
      %mul3A_119 = arith.muli %mul3A_117, %mul3A_118 : i32
      %get3A_120 = arith.constant 0 : index
      %get3A_121 = arith.index_cast %mul3A_119 : i32 to index
      %get3A_122 = arith.constant 0 : index
      %get3A_123 = vector.load %arg2[%get3A_120, %get3A_121, %get3A_122] : memref<1x2048x128xf32, #tpu.memory_space<vmem>>, vector<1x1024x128xf32>
      %get3A_124 = vector.shape_cast %get3A_123 : vector<1x1024x128xf32> to vector<1024x128xf32>
      %get3A_125 = arith.constant 0 : index
      %get3A_126 = arith.constant 0 : index
      %get3A_127 = vector.load %arg14[%get3A_125, %get3A_126] : memref<1x128xf32, #tpu.memory_space<vmem>>, vector<1x128xf32>
      %dot_general3A_128 = arith.constant dense<0.000000e+00> : vector<1024x1xf32>
      %dot_general3A_129 = tpu.matmul %get3A_124, %get3A_127, %dot_general3A_128 {dimension_numbers = #tpu.dot_dimension_numbers<[1], [1], [0], [0], [0, 0, 1, 0], [], []>, transpose_lhs_hint = false} : vector<1024x128xf32>, vector<1x128xf32>, vector<1024x1xf32> -> vector<1024x1xf32>
      %mul3A_130 = arith.constant 0.0883883461 : f32
      %mul3A_131 = vector.broadcast %mul3A_130 : f32 to vector<1024x1xf32>
      %mul3A_132 = arith.mulf %dot_general3A_129, %mul3A_131 : vector<1024x1xf32>
      %eq3A_133 = arith.constant 0.000000e+00 : f32
      %eq3A_134 = vector.broadcast %eq3A_133 : f32 to vector<1024x1xf32>
      %eq3A_135 = arith.cmpf oeq, %mul3A_132, %eq3A_134 : vector<1024x1xf32>
      %jit3A_136 = arith.constant -1.000000e+04 : f32
      %broadcast_in_dim3A_137 = vector.broadcast %jit3A_136 : f32 to vector<1024x1xf32>
      %select_n3A_138 = arith.select %eq3A_135, %broadcast_in_dim3A_137, %mul3A_132 : vector<1024x1xi1>, vector<1024x1xf32>
      %ge3A_139 = arith.constant 0.000000e+00 : f32
      %ge3A_140 = vector.broadcast %ge3A_139 : f32 to vector<1024x1xf32>
      %ge3A_141 = arith.cmpf oge, %select_n3A_138, %ge3A_140 : vector<1024x1xf32>
      %mul3A_142 = arith.constant 0.00999999977 : f32
      %mul3A_143 = vector.broadcast %mul3A_142 : f32 to vector<1024x1xf32>
      %mul3A_144 = arith.mulf %mul3A_143, %select_n3A_138 : vector<1024x1xf32>
      %select_n3A_145 = arith.select %ge3A_141, %select_n3A_138, %mul3A_144 : vector<1024x1xi1>, vector<1024x1xf32>
      %reshape3A_146 = vector.shape_cast %select_n3A_145 : vector<1024x1xf32> to vector<128x8x1xf32>
      %reduce_max3A_147 = arith.constant dense<0xFF800000> : vector<128x1xf32>
      %reduce_max3A_148 = vector.multi_reduction <maximumf>, %reshape3A_146, %reduce_max3A_147 [1] : vector<128x8x1xf32> to vector<128x1xf32>
      %broadcast_in_dim3A_149 = vector.shape_cast %reduce_max3A_148 : vector<128x1xf32> to vector<128x1x1xf32>
      %sub3A_150 = vector.broadcast %broadcast_in_dim3A_149 : vector<128x1x1xf32> to vector<128x8x1xf32>
      %sub3A_151 = arith.subf %reshape3A_146, %sub3A_150 : vector<128x8x1xf32>
      %exp3A_152 = math.exp %sub3A_151 : vector<128x8x1xf32>
      %reduce_sum3A_153 = arith.constant dense<0.000000e+00> : vector<128x1xf32>
      %reduce_sum3A_154 = vector.multi_reduction <add>, %exp3A_152, %reduce_sum3A_153 [1] : vector<128x8x1xf32> to vector<128x1xf32>
      %broadcast_in_dim3A_155 = vector.shape_cast %reduce_sum3A_154 : vector<128x1xf32> to vector<128x1x1xf32>
      %div3A_156 = vector.broadcast %broadcast_in_dim3A_155 : vector<128x1x1xf32> to vector<128x8x1xf32>
      %div3A_157 = arith.divf %exp3A_152, %div3A_156 : vector<128x8x1xf32>
      %eq3A_158 = arith.constant 1.250000e-01 : f32
      %eq3A_159 = vector.broadcast %eq3A_158 : f32 to vector<128x8x1xf32>
      %eq3A_160 = arith.cmpf oeq, %div3A_157, %eq3A_159 : vector<128x8x1xf32>
      %jit3A_161 = arith.constant 0.000000e+00 : f32
      %broadcast_in_dim3A_162 = vector.broadcast %jit3A_161 : f32 to vector<128x8x1xf32>
      %select_n3A_163 = arith.select %eq3A_160, %broadcast_in_dim3A_162, %div3A_157 : vector<128x8x1xi1>, vector<128x8x1xf32>
      %reshape3A_164 = vector.shape_cast %select_n3A_163 : vector<128x8x1xf32> to vector<1024x1xf32>
      %mul3A_165 = arith.constant 128 : i32
      %mul3A_166 = arith.muli %select_n3A_115, %mul3A_165 : i32
      %mul3A_167 = arith.constant 8 : i32
      %mul3A_168 = arith.muli %mul3A_166, %mul3A_167 : i32
      %get3A_169 = arith.constant 0 : index
      %get3A_170 = arith.index_cast %mul3A_168 : i32 to index
      %get3A_171 = arith.constant 0 : index
      %get3A_172 = vector.load %arg3[%get3A_169, %get3A_170, %get3A_171] : memref<1x2048x128xf32, #tpu.memory_space<vmem>>, vector<1x1024x128xf32>
      %get3A_173 = vector.shape_cast %get3A_172 : vector<1x1024x128xf32> to vector<1024x128xf32>
      %mul3A_174 = vector.broadcast %reshape3A_164 : vector<1024x1xf32> to vector<1024x128xf32>
      %mul3A_175 = arith.mulf %get3A_173, %mul3A_174 : vector<1024x128xf32>
      %reshape3A_176 = vector.shape_cast %mul3A_175 : vector<1024x128xf32> to vector<128x8x128xf32>
      %reduce_sum3A_177 = arith.constant dense<0.000000e+00> : vector<128x128xf32>
      %reduce_sum3A_178 = vector.multi_reduction <add>, %reshape3A_176, %reduce_sum3A_177 [1] : vector<128x8x128xf32> to vector<128x128xf32>
      %mul3A_179 = vector.broadcast %reshape3A_164 : vector<1024x1xf32> to vector<1024x128xf32>
      %mul3A_180 = arith.mulf %add3A_99, %mul3A_179 : vector<1024x128xf32>
      %reshape3A_181 = vector.shape_cast %mul3A_180 : vector<1024x128xf32> to vector<128x8x128xf32>
      %reduce_sum3A_182 = arith.constant dense<0.000000e+00> : vector<128x128xf32>
      %reduce_sum3A_183 = vector.multi_reduction <add>, %reshape3A_181, %reduce_sum3A_182 [1] : vector<128x8x128xf32> to vector<128x128xf32>
      %swap3A = arith.constant 0 : index
      %swap3A_184 = arith.constant 0 : index
      %swap3A_185 = vector.load %arg12[%swap3A, %swap3A_184] : memref<128x256xf32, #tpu.memory_space<vmem>>, vector<128x128xf32>
      tpu.vector_store %arg12[%swap3A, %swap3A_184], %reduce_sum3A_178 {strides = array<i32>} : memref<128x256xf32, #tpu.memory_space<vmem>>, vector<128x128xf32>,
      %swap3A_186 = arith.constant 0 : index
      %swap3A_187 = arith.constant 128 : index
      %swap3A_188 = vector.load %arg12[%swap3A_186, %swap3A_187] : memref<128x256xf32, #tpu.memory_space<vmem>>, vector<128x128xf32>
      tpu.vector_store %arg12[%swap3A_186, %swap3A_187], %reduce_sum3A_183 {strides = array<i32>} : memref<128x256xf32, #tpu.memory_space<vmem>>, vector<128x128xf32>,
    } else {
    }
    %eq3A_19 = arith.constant 16 : i32
    %eq3A_20 = arith.cmpi eq, %arg0, %eq3A_19 : i32
    %convert_element_type3A_21 = arith.extui %eq3A_20 : i1 to i32
    %cond3A_22 = arith.constant 0 : i32
    %cond3A_23 = arith.cmpi ne, %convert_element_type3A_21, %cond3A_22 : i32
    scf.if %cond3A_23 {
      %broadcast_in_dim3A = arith.constant 0.000000e+00 : f32
      %broadcast_in_dim3A_24 = vector.broadcast %broadcast_in_dim3A : f32 to vector<128x256xf32>
      %swap3A = arith.constant 0 : index
      %swap3A_25 = arith.constant 0 : index
      %swap3A_26 = vector.load %arg12[%swap3A, %swap3A_25] : memref<128x256xf32, #tpu.memory_space<vmem>>, vector<128x256xf32>
      tpu.vector_store %arg12[%swap3A, %swap3A_25], %broadcast_in_dim3A_24 {strides = array<i32>} : memref<128x256xf32, #tpu.memory_space<vmem>>, vector<128x256xf32>,
    } else {
    }
    return
  }
  func.func @transform_0(%arg0: i32) -> (i32, i32, i32) {
    %jit3A = arith.constant 2 : i32
    %div3A = arith.divsi %arg0, %jit3A : i32
    %sign3A = arith.constant 0 : i32
    %sign3A_0 = arith.cmpi sgt, %arg0, %sign3A : i32
    %sign3A_1 = arith.extui %sign3A_0 : i1 to i32
    %sign3A_2 = arith.constant 0 : i32
    %sign3A_3 = arith.cmpi slt, %arg0, %sign3A_2 : i32
    %sign3A_4 = arith.extui %sign3A_3 : i1 to i32
    %sign3A_5 = arith.subi %sign3A_1, %sign3A_4 : i32
    %sign3A_6 = arith.constant 0 : i32
    %sign3A_7 = arith.cmpi sgt, %jit3A, %sign3A_6 : i32
    %sign3A_8 = arith.extui %sign3A_7 : i1 to i32
    %sign3A_9 = arith.constant 0 : i32
    %sign3A_10 = arith.cmpi slt, %jit3A, %sign3A_9 : i32
    %sign3A_11 = arith.extui %sign3A_10 : i1 to i32
    %sign3A_12 = arith.subi %sign3A_8, %sign3A_11 : i32
    %ne3A = arith.cmpi ne, %sign3A_5, %sign3A_12 : i32
    %rem3A = arith.remsi %arg0, %jit3A : i32
    %ne3A_13 = arith.constant 0 : i32
    %ne3A_14 = arith.cmpi ne, %rem3A, %ne3A_13 : i32
    %and3A = arith.andi %ne3A, %ne3A_14 : i1
    %sub3A = arith.constant 1 : i32
    %sub3A_15 = arith.subi %div3A, %sub3A : i32
    %select_n3A = arith.select %and3A, %sub3A_15, %div3A : i32
    %min3A = arith.constant 7 : i32
    %min3A_16 = arith.minsi %select_n3A, %min3A : i32
    %c0_i32 = arith.constant 0 : i32
    %c0_i32_17 = arith.constant 0 : i32
    %c0_i32_18 = arith.constant 0 : i32
    return %min3A_16, %c0_i32, %c0_i32_17 : i32, i32, i32
  }
  func.func @transform_1(%arg0: i32) -> (i32, i32, i32) {
    %jit3A = arith.constant 2 : i32
    %div3A = arith.divsi %arg0, %jit3A : i32
    %sign3A = arith.constant 0 : i32
    %sign3A_0 = arith.cmpi sgt, %arg0, %sign3A : i32
    %sign3A_1 = arith.extui %sign3A_0 : i1 to i32
    %sign3A_2 = arith.constant 0 : i32
    %sign3A_3 = arith.cmpi slt, %arg0, %sign3A_2 : i32
    %sign3A_4 = arith.extui %sign3A_3 : i1 to i32
    %sign3A_5 = arith.subi %sign3A_1, %sign3A_4 : i32
    %sign3A_6 = arith.constant 0 : i32
    %sign3A_7 = arith.cmpi sgt, %jit3A, %sign3A_6 : i32
    %sign3A_8 = arith.extui %sign3A_7 : i1 to i32
    %sign3A_9 = arith.constant 0 : i32
    %sign3A_10 = arith.cmpi slt, %jit3A, %sign3A_9 : i32
    %sign3A_11 = arith.extui %sign3A_10 : i1 to i32
    %sign3A_12 = arith.subi %sign3A_8, %sign3A_11 : i32
    %ne3A = arith.cmpi ne, %sign3A_5, %sign3A_12 : i32
    %rem3A = arith.remsi %arg0, %jit3A : i32
    %ne3A_13 = arith.constant 0 : i32
    %ne3A_14 = arith.cmpi ne, %rem3A, %ne3A_13 : i32
    %and3A = arith.andi %ne3A, %ne3A_14 : i1
    %sub3A = arith.constant 1 : i32
    %sub3A_15 = arith.subi %div3A, %sub3A : i32
    %select_n3A = arith.select %and3A, %sub3A_15, %div3A : i32
    %min3A = arith.constant 7 : i32
    %min3A_16 = arith.minsi %select_n3A, %min3A : i32
    %c0_i32 = arith.constant 0 : i32
    %c0_i32_17 = arith.constant 0 : i32
    %c0_i32_18 = arith.constant 0 : i32
    return %min3A_16, %c0_i32, %c0_i32_17 : i32, i32, i32
  }
  func.func @transform_2(%arg0: i32) -> (i32, i32, i32) {
    %jit3A = arith.constant 2 : i32
    %div3A = arith.divsi %arg0, %jit3A : i32
    %sign3A = arith.constant 0 : i32
    %sign3A_0 = arith.cmpi sgt, %arg0, %sign3A : i32
    %sign3A_1 = arith.extui %sign3A_0 : i1 to i32
    %sign3A_2 = arith.constant 0 : i32
    %sign3A_3 = arith.cmpi slt, %arg0, %sign3A_2 : i32
    %sign3A_4 = arith.extui %sign3A_3 : i1 to i32
    %sign3A_5 = arith.subi %sign3A_1, %sign3A_4 : i32
    %sign3A_6 = arith.constant 0 : i32
    %sign3A_7 = arith.cmpi sgt, %jit3A, %sign3A_6 : i32
    %sign3A_8 = arith.extui %sign3A_7 : i1 to i32
    %sign3A_9 = arith.constant 0 : i32
    %sign3A_10 = arith.cmpi slt, %jit3A, %sign3A_9 : i32
    %sign3A_11 = arith.extui %sign3A_10 : i1 to i32
    %sign3A_12 = arith.subi %sign3A_8, %sign3A_11 : i32
    %ne3A = arith.cmpi ne, %sign3A_5, %sign3A_12 : i32
    %rem3A = arith.remsi %arg0, %jit3A : i32
    %ne3A_13 = arith.constant 0 : i32
    %ne3A_14 = arith.cmpi ne, %rem3A, %ne3A_13 : i32
    %and3A = arith.andi %ne3A, %ne3A_14 : i1
    %sub3A = arith.constant 1 : i32
    %sub3A_15 = arith.subi %div3A, %sub3A : i32
    %select_n3A = arith.select %and3A, %sub3A_15, %div3A : i32
    %min3A = arith.constant 7 : i32
    %min3A_16 = arith.minsi %select_n3A, %min3A : i32
    %c0_i32 = arith.constant 0 : i32
    %c0_i32_17 = arith.constant 0 : i32
    %c0_i32_18 = arith.constant 0 : i32
    return %min3A_16, %c0_i32, %c0_i32_17 : i32, i32, i32
  }
  func.func @transform_3(%arg0: i32) -> (i32, i32, i32) {
    %jit3A = arith.constant 2 : i32
    %div3A = arith.divsi %arg0, %jit3A : i32
    %sign3A = arith.constant 0 : i32
    %sign3A_0 = arith.cmpi sgt, %arg0, %sign3A : i32
    %sign3A_1 = arith.extui %sign3A_0 : i1 to i32
    %sign3A_2 = arith.constant 0 : i32
    %sign3A_3 = arith.cmpi slt, %arg0, %sign3A_2 : i32
    %sign3A_4 = arith.extui %sign3A_3 : i1 to i32
    %sign3A_5 = arith.subi %sign3A_1, %sign3A_4 : i32
    %sign3A_6 = arith.constant 0 : i32
    %sign3A_7 = arith.cmpi sgt, %jit3A, %sign3A_6 : i32
    %sign3A_8 = arith.extui %sign3A_7 : i1 to i32
    %sign3A_9 = arith.constant 0 : i32
    %sign3A_10 = arith.cmpi slt, %jit3A, %sign3A_9 : i32
    %sign3A_11 = arith.extui %sign3A_10 : i1 to i32
    %sign3A_12 = arith.subi %sign3A_8, %sign3A_11 : i32
    %ne3A = arith.cmpi ne, %sign3A_5, %sign3A_12 : i32
    %rem3A = arith.remsi %arg0, %jit3A : i32
    %ne3A_13 = arith.constant 0 : i32
    %ne3A_14 = arith.cmpi ne, %rem3A, %ne3A_13 : i32
    %and3A = arith.andi %ne3A, %ne3A_14 : i1
    %sub3A = arith.constant 1 : i32
    %sub3A_15 = arith.subi %div3A, %sub3A : i32
    %select_n3A = arith.select %and3A, %sub3A_15, %div3A : i32
    %min3A = arith.constant 7 : i32
    %min3A_16 = arith.minsi %select_n3A, %min3A : i32
    %ge3A = arith.constant 16 : i32
    %ge3A_17 = arith.cmpi sge, %arg0, %ge3A : i32
    %jit3A_18 = arith.constant 2 : i32
    %eq3A = arith.constant 0 : i32
    %eq3A_19 = arith.cmpi eq, %jit3A_18, %eq3A : i32
    %jit3A_20 = arith.constant 1 : i32
    %select_n3A_21 = arith.select %eq3A_19, %jit3A_20, %jit3A_18 : i32
    %rem3A_22 = arith.remsi %arg0, %select_n3A_21 : i32
    %ne3A_23 = arith.constant 0 : i32
    %ne3A_24 = arith.cmpi ne, %rem3A_22, %ne3A_23 : i32
    %lt3A = arith.constant 0 : i32
    %lt3A_25 = arith.cmpi slt, %rem3A_22, %lt3A : i32
    %lt3A_26 = arith.constant 0 : i32
    %lt3A_27 = arith.cmpi slt, %select_n3A_21, %lt3A_26 : i32
    %ne3A_28 = arith.xori %lt3A_25, %lt3A_27 : i1
    %and3A_29 = arith.andi %ne3A_28, %ne3A_24 : i1
    %add3A = arith.addi %rem3A_22, %select_n3A_21 : i32
    %select_n3A_30 = arith.select %and3A_29, %add3A, %rem3A_22 : i32
    %jit3A_31 = arith.constant 1 : i32
    %select_n3A_32 = arith.select %ge3A_17, %jit3A_31, %select_n3A_30 : i32
    %c0_i32 = arith.constant 0 : i32
    %c0_i32_33 = arith.constant 0 : i32
    return %min3A_16, %select_n3A_32, %c0_i32 : i32, i32, i32
  }
  func.func @transform_4(%arg0: i32) -> (i32, i32, i32) {
    %jit3A = arith.constant 2 : i32
    %div3A = arith.divsi %arg0, %jit3A : i32
    %sign3A = arith.constant 0 : i32
    %sign3A_0 = arith.cmpi sgt, %arg0, %sign3A : i32
    %sign3A_1 = arith.extui %sign3A_0 : i1 to i32
    %sign3A_2 = arith.constant 0 : i32
    %sign3A_3 = arith.cmpi slt, %arg0, %sign3A_2 : i32
    %sign3A_4 = arith.extui %sign3A_3 : i1 to i32
    %sign3A_5 = arith.subi %sign3A_1, %sign3A_4 : i32
    %sign3A_6 = arith.constant 0 : i32
    %sign3A_7 = arith.cmpi sgt, %jit3A, %sign3A_6 : i32
    %sign3A_8 = arith.extui %sign3A_7 : i1 to i32
    %sign3A_9 = arith.constant 0 : i32
    %sign3A_10 = arith.cmpi slt, %jit3A, %sign3A_9 : i32
    %sign3A_11 = arith.extui %sign3A_10 : i1 to i32
    %sign3A_12 = arith.subi %sign3A_8, %sign3A_11 : i32
    %ne3A = arith.cmpi ne, %sign3A_5, %sign3A_12 : i32
    %rem3A = arith.remsi %arg0, %jit3A : i32
    %ne3A_13 = arith.constant 0 : i32
    %ne3A_14 = arith.cmpi ne, %rem3A, %ne3A_13 : i32
    %and3A = arith.andi %ne3A, %ne3A_14 : i1
    %sub3A = arith.constant 1 : i32
    %sub3A_15 = arith.subi %div3A, %sub3A : i32
    %select_n3A = arith.select %and3A, %sub3A_15, %div3A : i32
    %min3A = arith.constant 7 : i32
    %min3A_16 = arith.minsi %select_n3A, %min3A : i32
    %ge3A = arith.constant 16 : i32
    %ge3A_17 = arith.cmpi sge, %arg0, %ge3A : i32
    %jit3A_18 = arith.constant 2 : i32
    %eq3A = arith.constant 0 : i32
    %eq3A_19 = arith.cmpi eq, %jit3A_18, %eq3A : i32
    %jit3A_20 = arith.constant 1 : i32
    %select_n3A_21 = arith.select %eq3A_19, %jit3A_20, %jit3A_18 : i32
    %rem3A_22 = arith.remsi %arg0, %select_n3A_21 : i32
    %ne3A_23 = arith.constant 0 : i32
    %ne3A_24 = arith.cmpi ne, %rem3A_22, %ne3A_23 : i32
    %lt3A = arith.constant 0 : i32
    %lt3A_25 = arith.cmpi slt, %rem3A_22, %lt3A : i32
    %lt3A_26 = arith.constant 0 : i32
    %lt3A_27 = arith.cmpi slt, %select_n3A_21, %lt3A_26 : i32
    %ne3A_28 = arith.xori %lt3A_25, %lt3A_27 : i1
    %and3A_29 = arith.andi %ne3A_28, %ne3A_24 : i1
    %add3A = arith.addi %rem3A_22, %select_n3A_21 : i32
    %select_n3A_30 = arith.select %and3A_29, %add3A, %rem3A_22 : i32
    %jit3A_31 = arith.constant 1 : i32
    %select_n3A_32 = arith.select %ge3A_17, %jit3A_31, %select_n3A_30 : i32
    %c0_i32 = arith.constant 0 : i32
    %c0_i32_33 = arith.constant 0 : i32
    return %min3A_16, %select_n3A_32, %c0_i32 : i32, i32, i32
  }
  func.func @transform_5(%arg0: i32) -> (i32, i32) {
    %c0_i32 = arith.constant 0 : i32
    %c0_i32_0 = arith.constant 0 : i32
    %c0_i32_1 = arith.constant 0 : i32
    return %c0_i32, %c0_i32_0 : i32, i32
  }
  func.func @transform_6(%arg0: i32) -> (i32, i32) {
    %c0_i32 = arith.constant 0 : i32
    %c0_i32_0 = arith.constant 0 : i32
    %c0_i32_1 = arith.constant 0 : i32
    return %c0_i32, %c0_i32_0 : i32, i32
  }
  func.func @transform_7(%arg0: i32) -> (i32, i32) {
    %c0_i32 = arith.constant 0 : i32
    %c0_i32_0 = arith.constant 0 : i32
    %c0_i32_1 = arith.constant 0 : i32
    return %c0_i32, %c0_i32_0 : i32, i32
  }
  func.func @transform_8(%arg0: i32) -> (i32, i32) {
    %c0_i32 = arith.constant 0 : i32
    %c0_i32_0 = arith.constant 0 : i32
    %c0_i32_1 = arith.constant 0 : i32
    return %c0_i32, %c0_i32_0 : i32, i32
  }
  func.func @transform_9(%arg0: i32) -> (i32, i32) {
    %c0_i32 = arith.constant 0 : i32
    %c0_i32_0 = arith.constant 0 : i32
    %c0_i32_1 = arith.constant 0 : i32
    return %c0_i32, %c0_i32_0 : i32, i32
  }
  func.func @transform_10(%arg0: i32) -> (i32, i32) {
    %c0_i32 = arith.constant 0 : i32
    %c0_i32_0 = arith.constant 0 : i32
    %c0_i32_1 = arith.constant 0 : i32
    return %c0_i32, %c0_i32_0 : i32, i32
  }
  func.func @transform_11(%arg0: i32) -> (i32, i32) {
    %c0_i32 = arith.constant 0 : i32
    %c0_i32_0 = arith.constant 0 : i32
    return %arg0, %c0_i32 : i32, i32
  }
}

</mosaic_0001>

<sc_bundles>
// kernel: kernel.5.cloned.1.call-start
scs
__scs_entry_jumppad:
0x0: {  	(pc) =	sbr.rel $0x88, $3  }
0x1: {  	(tag) =	ssettag $0x0;
	lr =	simm.s32 $0x1  }
0x2: {  	[smem:$0x3F95] =	sst lr;
	_ =	strace $0xD0000000  }
0x3: {  	_ = 	snop  }
0x4: {  	_ = 	snop  }
0x5: {  	_ = 	snop  }
0x6: {  	_ = 	snop  }
0x7: {  	_ = 	snop  }
__scs_overlays_trampoline_lowered:
0x8: {  	[smem:$0x3FA4] =	sst s0  }
0x9: {  	[smem:$0x3FA5] =	sst s1  }
0xa: {  	[smem:$0x3FA6] =	sst s2  }
0xb: {  	[smem:$0x3FA7] =	sst s3  }
0xc: {  	[smem:$0x3FA8] =	sst s4  }
0xd: {  	[smem:$0x3FA9] =	sst s5  }
0xe: {  	[smem:$0x3FAA] =	sst s6  }
0xf: {  	[smem:$0x3FAB] =	sst s7  }
0x10: {  	[smem:$0x3FAC] =	sst s8  }
0x11: {  	[smem:$0x3FAD] =	sst s9;
	s0 =	simm.s32 @!p0 $0x0  }
0x12: {  	s1 =	sld [smem:$0x3F93];
	s0 =	simm.s32 @p0 $0x1  }
0x13: {  	[smem:$0x3FAE] =	sst s0;
	s0 =	simm.s32 @!p1 $0x0  }
0x14: {  	s2 =	sld [smem:$0x3F92];
	s0 =	simm.s32 @p1 $0x1  }
0x15: {  	[smem:$0x3FAF] =	sst s0;
	s0 =	simm.s32 @!p2 $0x0  }
0x16: {  	s3 =	sld [smem:$0x3FDB];
	s0 =	simm.s32 @p2 $0x1  }
0x17: {  	s4 =	simm.s32 $0x1BF5;
	[smem:$0x3FB1] =	sst s0  }
0x18: {  	s0 =	sld [smem:$0x3F94];
	_ =	swait.ge [sflag:s4], $0x0  }
0x19: {  	s7 =	sld [smem:$0x3F95]  }
0x1a: {  	s8 =	sadd.s32 $0xFFFFE003, lr  }
0x1b: {  	s9 =	sadd.s32 $0xFFFFFEF7, lr;
	s5 =	simm.s32 $0xFFFFFFFF;
	p2 =	slt.u32 s8, $0xFFFFF086  }
0x1c: {  	p1 =	slt.u32 s9, $0xF7A;
	s5 =	simm.s32 @!p2 $0x0  }
0x1d: {  	s5 =	simm.s32 @p1 $0x1;
	p0 =	seq.s32 s7, s2  }
0x1e: {  	s7 =	smul.u32 @!p0 $0xF7A, s2;
	p2 =	seq.s32 @!p0 s5, $0x0  }
0x1f: {  	s9 =	smul.u32 $0xF7A, s1;
	s8 =	simm.s32 @!p0 $0x1BF5;
	p2 =	por !p2, p0  }
0x20: {  	[sflag:s8] =	ssyncset.s32 @!p0 $0xFFFFF086;
	s6 =	sadd.s32 @!p0 s3, s7;
	s7 =	simm.s32 @!p0 $0x108  }
0x21: {  	s3 =	sadd.s32 s3, s9;
	s6 =	sadd.s32 @!p0 $0x88, s6;
	s7 =	simm.s32 @p2 $0x1082  }
0x22: {  	[simem:s7], [sflag:s8] =	dma.local @!p0 [hbm:s6], $0xF7A  }
0x23: {  	s9 =	sor.u32 $0xD0000000, s2;
	s6 =	simm.s32 $0x108;
	_ =	swait.ge @!p0 [sflag:s8], $0x0  }
0x24: {  	s3 =	sadd.s32 $0x88, s3;
	s6 =	simm.s32 @!p1 $0x1082;
	[sflag:s4] =	ssyncset.s32 $0xFFFFF086  }
0x25: {  	[simem:s6], [sflag:s4] =	dma.local [hbm:s3], $0xF7A  }
0x26: {  	[smem:$0x3F95] =	sst s1;
	(tag) =	ssettag s2;
	_ =	strace s9  }
0x27: {  	s1 =	sld [smem:$0x3FA5]  }
0x28: {  	s2 =	sld [smem:$0x3FA6]  }
0x29: {  	s4 =	sld [smem:$0x3FA8]  }
0x2a: {  	p0 =	seq.s32 s5, $0x0;
	s5 =	sld [smem:$0x3FA9]  }
0x2b: {  	s6 =	sld [smem:$0x3FAA]  }
0x2c: {  	s7 =	sld [smem:$0x3FAB]  }
0x2d: {  	s3 =	simm.s32 $0x108;
	s8 =	sld [smem:$0x3FAC]  }
0x2e: {  	s3 =	simm.s32 @!p0 $0x1082;
	s9 =	sld [smem:$0x3FAD]  }
0x2f: {  	lr =	sadd.s32 s0, s3;
	s0 =	sld [smem:$0x3FA4]  }
0x30: {  	s3 =	sld [smem:$0x3FA7]  }
0x31: {  	[smem:$0x3FB0] =	sst s10  }
0x32: {  	s10 =	sld [smem:$0x3FAE];
	_ =	sdelay $0x3  }
0x33: {  	p0 =	seq.s32 s10, $0x1;
	s10 =	sld [smem:$0x3FB0];
	_ =	sdelay $0x3  }
0x34: {  	[smem:$0x3FB0] =	sst s10  }
0x35: {  	s10 =	sld [smem:$0x3FAF];
	_ =	sdelay $0x3  }
0x36: {  	p1 =	seq.s32 s10, $0x1;
	s10 =	sld [smem:$0x3FB0];
	_ =	sdelay $0x3  }
0x37: {  	[smem:$0x3FB0] =	sst s10  }
0x38: {  	s10 =	sld [smem:$0x3FB1]  }
0x39: {  	_ = 	snop;
	(pc) =	sbr.ind lr, $3  }
0x3a: {  	_ = 	snop  }
0x3b: {  	_ = 	snop  }
0x3c: {  	p2 =	seq.s32 s10, $0x1;
	s10 =	sld [smem:$0x3FB0]  }
0x3d: {  	_ =	shalt  }
0x3e: {  	_ =	shalt  }
0x3f: {  	_ =	shalt  }
0x40: {  	_ =	shalt  }
0x41: {  	_ =	shalt  }
0x42: {  	_ =	shalt  }
0x43: {  	_ =	shalt  }
0x44: {  	_ =	shalt  }
0x45: {  	_ =	shalt  }
0x46: {  	_ =	shalt  }
0x47: {  	_ =	shalt  }
0x48: {  	_ =	shalt  }
0x49: {  	_ =	shalt  }
0x4a: {  	_ =	shalt  }
0x4b: {  	_ =	shalt  }
0x4c: {  	_ =	shalt  }
0x4d: {  	_ =	shalt  }
0x4e: {  	_ =	shalt  }
0x4f: {  	_ =	shalt  }
0x50: {  	_ =	shalt  }
0x51: {  	_ =	shalt  }
0x52: {  	_ =	shalt  }
0x53: {  	_ =	shalt  }
0x54: {  	_ =	shalt  }
0x55: {  	_ =	shalt  }
0x56: {  	_ =	shalt  }
0x57: {  	_ =	shalt  }
0x58: {  	_ =	shalt  }
0x59: {  	_ =	shalt  }
0x5a: {  	_ =	shalt  }
0x5b: {  	_ =	shalt  }
0x5c: {  	_ =	shalt  }
0x5d: {  	_ =	shalt  }
0x5e: {  	_ =	shalt  }
0x5f: {  	_ =	shalt  }
0x60: {  	_ =	shalt  }
0x61: {  	_ =	shalt  }
0x62: {  	_ =	shalt  }
0x63: {  	_ =	shalt  }
0x64: {  	_ =	shalt  }
0x65: {  	_ =	shalt  }
0x66: {  	_ =	shalt  }
0x67: {  	_ =	shalt  }
0x68: {  	_ =	shalt  }
0x69: {  	_ =	shalt  }
0x6a: {  	_ =	shalt  }
0x6b: {  	_ =	shalt  }
0x6c: {  	_ =	shalt  }
0x6d: {  	_ =	shalt  }
0x6e: {  	_ =	shalt  }
0x6f: {  	_ =	shalt  }
0x70: {  	_ =	shalt  }
0x71: {  	_ =	shalt  }
0x72: {  	_ =	shalt  }
0x73: {  	_ =	shalt  }
0x74: {  	_ =	shalt  }
0x75: {  	_ =	shalt  }
0x76: {  	_ =	shalt  }
0x77: {  	_ =	shalt  }
0x78: {  	_ =	shalt  }
0x79: {  	_ =	shalt  }
0x7a: {  	_ =	shalt  }
0x7b: {  	_ =	shalt  }
0x7c: {  	_ =	shalt  }
0x7d: {  	_ =	shalt  }
0x7e: {  	_ =	shalt  }
0x7f: {  	_ =	shalt  }
0x80: {  	_ =	shalt  }
0x81: {  	_ =	shalt  }
0x82: {  	_ =	shalt  }
0x83: {  	_ =	shalt  }
0x84: {  	_ =	shalt  }
0x85: {  	_ =	shalt  }
0x86: {  	_ =	shalt  }
0x87: {  	_ =	shalt  }
.Lfunc_end0:
.L_simem_size_0:
called_computation_lowered:
.L_overlay_start_0:
0x88: {  	s2 =	sld [smem:$0x3FD9]  }
0x89: {  	s3 =	sld [smem:$0x3FFE];
	_ =	sdelay $0x1  }
0x8a: {  	s1 =	srdreg.scid  }
0x8b: {  	s0 =	sand.u32 $0x1, s1  }
0x8c: {  	s4 =	sshll.u32 s0, $0xA;
	s2 =	sadd.s32 s3, s2  }
0x8d: {  	s2 =	sadd.s32 s2, s4  }
0x8e: {  	s6 =	simm.s32 $0x0;
	[smem:$0x3FBC] =	sst s2  }
0x8f: {  	[smem:$0xF] =	sst s6  }
0x90: {  	s5 =	sld [smem:$0x3FD0];
	(tm) =	ssettm $0x1  }
0x91: {  	s28 =	sld [smem:$0x3FFB];
	_ =	sdelay $0x3  }
0x92: {  	_ =	strace s28  }
0x93: {  	s2 =	sld [smem:$0x3FFC];
	_ =	sdelay $0x3  }
0x94: {  	_ =	strace s2  }
0x95: {  	s2 =	sld [smem:$0x3FFD];
	_ =	sdelay $0x3  }
0x96: {  	_ =	strace s2  }
0x97: {  	s29 =	simm.s32 $0x1B8B;
	_ =	strace $0x8FFFFFFF  }
0x98: {  	_ =	swait.ge [sflag:s29], $0x1  }
0x99: {  	[sflag:s29] =	ssyncset.done $0x0  }
0x9a: {  	s31 =	simm.s32 $0x1B8E;
	s30 =	sld [smem:$0x3FFE];
	[sflag:s29] =	ssyncadd.s32 $0xFFFFFFFF  }
0x9b: {  	s9 =	simm.s32 $0x10;
	s7 =	sshll.u32 s0, $0x7;
	[smem:$0x3FD2] =	sst s31  }
0x9c: {  	s8 =	sadd.s32 s5, s7;
	s2 =	simm.s32 $0xA;
	_ =	strace $0x80000046  }
0x9d: {  	[smem:s9], [sflag:s2] =	dma.local [hbm:s8], $0x20  }
0x9e: {  	_ =	swait.ge [sflag:s2], $0x20  }
0x9f: {  	s3 =	sadd.s32 $0x2600, s30;
	[sflag:s2] =	ssyncset.done $0x0  }
0xa0: {  	s8 =	simm.s32 $0x0;
	s9 =	simm.s32 $0x4;
	[sflag:s2] =	ssyncadd.s32 $0xFFFFFFE0  }
.LBB1_1:
0xa1: {  	p0 =	sne.s32 s9, $0x3FC;
	s10 =	sld [smem:s8+$0x10];
	s11 =	sadd.s32 s4, s6  }
0xa2: {  	s12 =	smov.u32 s8;
	_ =	sdelay $0x1  }
.Ltmp0:
0xa3: {  	(pc) =	sbr.rel @p0 .LBB1_1-.Ltmp0, $3  }
0xa4: {  	p1 =	sne.s32 s10, $0x0;
	s10 =	simm.s32 $0x1  }
0xa5: {  	s8 =	sshra.s32 s9, $0x2;
	s11 =	simm.s32 @!p1 $0x800;
	s10 =	simm.s32 @!p1 $0x0  }
0xa6: {  	s9 =	sadd.s32 $0x4, s9;
	[smem:s12+$0x110] =	sst s11;
	s6 =	sadd.s32 s10, s6  }
0xa7: {  	s9 =	sld [smem:s8+$0x10];
	_ =	sdelay $0x3  }
0xa8: {  	s6 =	sadd.s32 s4, s6;
	p0 =	sne.s32 s9, $0x0  }
0xa9: {  	s28 =	sadd.s32 s3, s7;
	s6 =	simm.s32 @!p0 $0x800  }
0xaa: {  	s29 =	simm.s32 $0x110;
	s30 =	simm.s32 $0xA;
	[smem:s8+$0x110] =	sst s6  }
0xab: {  	[hbm:s28], [sflag:s2] =	dma.local [smem:s29], $0x20  }
0xac: {  	_ =	swait.ge [sflag:s30], $0x20  }
0xad: {  	s7 =	sor.u32 $0x100, s4;
	[sflag:s30] =	ssyncset.done $0x0  }
0xae: {  	s6 =	sshrl.u32 s7, $0x3;
	[sflag:s30] =	ssyncadd.s32 $0xFFFFFFE0  }
0xaf: {  	s10 =	simm.s32 $0x10;
	s31 =	sadd.s32 s5, s6  }
0xb0: {  	[smem:s10], [sflag:s2] =	dma.local [hbm:s31], $0x20  }
0xb1: {  	_ =	swait.ge [sflag:s30], $0x20  }
0xb2: {  	s9 =	simm.s32 $0x0;
	[sflag:s30] =	ssyncset.done $0x0  }
0xb3: {  	s8 =	simm.s32 $0x0;
	s10 =	simm.s32 $0x4;
	[sflag:s30] =	ssyncadd.s32 $0xFFFFFFE0  }
.LBB1_3:
0xb4: {  	p0 =	sne.s32 s10, $0x3FC;
	s11 =	sld [smem:s9+$0x10];
	s12 =	sadd.s32 s7, s8  }
0xb5: {  	s13 =	smov.u32 s9;
	_ =	sdelay $0x1  }
.Ltmp1:
0xb6: {  	(pc) =	sbr.rel @p0 .LBB1_3-.Ltmp1, $3  }
0xb7: {  	p1 =	sne.s32 s11, $0x0;
	s11 =	simm.s32 $0x1  }
0xb8: {  	s9 =	sshra.s32 s10, $0x2;
	s12 =	simm.s32 @!p1 $0x800;
	s11 =	simm.s32 @!p1 $0x0  }
0xb9: {  	s10 =	sadd.s32 $0x4, s10;
	[smem:s13+$0x110] =	sst s12;
	s8 =	sadd.s32 s11, s8  }
0xba: {  	s10 =	sld [smem:s9+$0x10];
	_ =	sdelay $0x3  }
0xbb: {  	s7 =	sadd.s32 s7, s8;
	p0 =	sne.s32 s10, $0x0  }
0xbc: {  	s6 =	sadd.s32 s3, s6;
	s7 =	simm.s32 @!p0 $0x800  }
0xbd: {  	s28 =	simm.s32 $0x110;
	s29 =	simm.s32 $0xA;
	[smem:s9+$0x110] =	sst s7  }
0xbe: {  	[hbm:s6], [sflag:s2] =	dma.local [smem:s28], $0x20  }
0xbf: {  	_ =	swait.ge [sflag:s29], $0x20  }
0xc0: {  	s7 =	sor.u32 $0x200, s4;
	[sflag:s29] =	ssyncset.done $0x0  }
0xc1: {  	s6 =	sshrl.u32 s7, $0x3;
	[sflag:s29] =	ssyncadd.s32 $0xFFFFFFE0  }
0xc2: {  	s31 =	simm.s32 $0x10;
	s30 =	sadd.s32 s5, s6  }
0xc3: {  	[smem:s31], [sflag:s2] =	dma.local [hbm:s30], $0x20  }
0xc4: {  	_ =	swait.ge [sflag:s29], $0x20  }
0xc5: {  	s8 =	simm.s32 $0x0;
	[sflag:s29] =	ssyncset.done $0x0  }
0xc6: {  	s10 =	simm.s32 $0x4;
	s9 =	simm.s32 $0x0;
	[sflag:s29] =	ssyncadd.s32 $0xFFFFFFE0  }
.LBB1_5:
0xc7: {  	p0 =	sne.s32 s10, $0x3FC;
	s11 =	sld [smem:s9+$0x10];
	s12 =	sadd.s32 s7, s8  }
0xc8: {  	s13 =	smov.u32 s9;
	_ =	sdelay $0x1  }
.Ltmp2:
0xc9: {  	(pc) =	sbr.rel @p0 .LBB1_5-.Ltmp2, $3  }
0xca: {  	p1 =	sne.s32 s11, $0x0;
	s11 =	simm.s32 $0x1  }
0xcb: {  	s9 =	sshra.s32 s10, $0x2;
	s12 =	simm.s32 @!p1 $0x800;
	s11 =	simm.s32 @!p1 $0x0  }
0xcc: {  	s10 =	sadd.s32 $0x4, s10;
	[smem:s13+$0x110] =	sst s12;
	s8 =	sadd.s32 s11, s8  }
0xcd: {  	s10 =	sld [smem:s9+$0x10];
	_ =	sdelay $0x3  }
0xce: {  	s7 =	sadd.s32 s7, s8;
	p0 =	sne.s32 s10, $0x0  }
0xcf: {  	s6 =	sadd.s32 s3, s6;
	s7 =	simm.s32 @!p0 $0x800  }
0xd0: {  	s29 =	simm.s32 $0x110;
	s30 =	simm.s32 $0xA;
	[smem:s9+$0x110] =	sst s7  }
0xd1: {  	[hbm:s6], [sflag:s2] =	dma.local [smem:s29], $0x20  }
0xd2: {  	_ =	swait.ge [sflag:s30], $0x20  }
0xd3: {  	s6 =	sor.u32 $0x300, s4;
	[sflag:s30] =	ssyncset.done $0x0  }
0xd4: {  	s4 =	sshrl.u32 s6, $0x3;
	[sflag:s30] =	ssyncadd.s32 $0xFFFFFFE0  }
0xd5: {  	s31 =	simm.s32 $0x10;
	s5 =	sadd.s32 s5, s4  }
0xd6: {  	[smem:s31], [sflag:s2] =	dma.local [hbm:s5], $0x20  }
0xd7: {  	_ =	swait.ge [sflag:s30], $0x20  }
0xd8: {  	s8 =	simm.s32 $0x4;
	[sflag:s30] =	ssyncset.done $0x0  }
0xd9: {  	s7 =	simm.s32 $0x0;
	s5 =	simm.s32 $0x0;
	[sflag:s30] =	ssyncadd.s32 $0xFFFFFFE0  }
.LBB1_7:
0xda: {  	p0 =	sne.s32 s8, $0x3FC;
	s9 =	sld [smem:s7+$0x10];
	s10 =	sadd.s32 s6, s5  }
0xdb: {  	s11 =	smov.u32 s7;
	_ =	sdelay $0x1  }
.Ltmp3:
0xdc: {  	(pc) =	sbr.rel @p0 .LBB1_7-.Ltmp3, $3  }
0xdd: {  	p1 =	sne.s32 s9, $0x0;
	s9 =	simm.s32 $0x1  }
0xde: {  	s7 =	sshra.s32 s8, $0x2;
	s10 =	simm.s32 @!p1 $0x800;
	s9 =	simm.s32 @!p1 $0x0  }
0xdf: {  	s8 =	sadd.s32 $0x4, s8;
	[smem:s11+$0x110] =	sst s10;
	s5 =	sadd.s32 s9, s5  }
0xe0: {  	s8 =	sld [smem:s7+$0x10];
	_ =	sdelay $0x3  }
0xe1: {  	s5 =	sadd.s32 s6, s5;
	p0 =	sne.s32 s8, $0x0  }
0xe2: {  	s3 =	sadd.s32 s3, s4;
	s5 =	simm.s32 @!p0 $0x800  }
0xe3: {  	s26 =	simm.s32 $0x110;
	s28 =	simm.s32 $0xA;
	[smem:s7+$0x110] =	sst s5  }
0xe4: {  	[hbm:s3], [sflag:s2] =	dma.local [smem:s26], $0x20  }
0xe5: {  	_ =	swait.ge [sflag:s28], $0x20  }
0xe6: {  	[sflag:s28] =	ssyncset.done $0x0  }
0xe7: {  	[sflag:s28] =	ssyncadd.s32 $0xFFFFFFE0  }
0xe8: {  	_ =	strace $0x90000046  }
0xe9: {  	_ =	sfence  }
0xea: {  	s29 =	sld [smem:$0x0];
	_ =	sdelay $0x2  }
0xeb: {  	s30 =	sshll.u32 s1, $0xD;
	s31 =	sshrl.u32 s1, $0x2  }
0xec: {  	s3 =	sand.u32 $0x4000, s30;
	s1 =	sadd.s32 s31, s29  }
0xed: {  	s0 =	sor.u32 s3, s0;
	s1 =	sshll.u32 s1, $0x11  }
0xee: {  	s0 =	sor.u32 s1, s0  }
0xef: {  	s0 =	sadd.s32 $0x8F2B, s0;
	(pc) =	sbr.abs _section_cstart, $3  }
0xf0: {  	[sflag:s0] =	ssyncadd.remote.s32 $0x1  }
0xf1: {  	_ =	strace $0x9FFFFFFF  }
0xf2: {  	(tm) =	ssettm $0x7FFFFFFF  }
0xf3: {  	_ =	shalt  }

// kernel: kernel.8.cloned.1.call-start
scs
__scs_entry_jumppad:
0x0: {  	(pc) =	sbr.rel $0x88, $3  }
0x1: {  	(tag) =	ssettag $0x0;
	lr =	simm.s32 $0x1  }
0x2: {  	[smem:$0x3F95] =	sst lr;
	_ =	strace $0xD0000000  }
0x3: {  	_ = 	snop  }
0x4: {  	_ = 	snop  }
0x5: {  	_ = 	snop  }
0x6: {  	_ = 	snop  }
0x7: {  	_ = 	snop  }
__scs_overlays_trampoline_lowered:
0x8: {  	[smem:$0x3FA4] =	sst s0  }
0x9: {  	[smem:$0x3FA5] =	sst s1  }
0xa: {  	[smem:$0x3FA6] =	sst s2  }
0xb: {  	[smem:$0x3FA7] =	sst s3  }
0xc: {  	[smem:$0x3FA8] =	sst s4  }
0xd: {  	[smem:$0x3FA9] =	sst s5  }
0xe: {  	[smem:$0x3FAA] =	sst s6  }
0xf: {  	[smem:$0x3FAB] =	sst s7  }
0x10: {  	[smem:$0x3FAC] =	sst s8  }
0x11: {  	[smem:$0x3FAD] =	sst s9;
	s0 =	simm.s32 @!p0 $0x0  }
0x12: {  	s1 =	sld [smem:$0x3F93];
	s0 =	simm.s32 @p0 $0x1  }
0x13: {  	[smem:$0x3FAE] =	sst s0;
	s0 =	simm.s32 @!p1 $0x0  }
0x14: {  	s2 =	sld [smem:$0x3F92];
	s0 =	simm.s32 @p1 $0x1  }
0x15: {  	[smem:$0x3FAF] =	sst s0;
	s0 =	simm.s32 @!p2 $0x0  }
0x16: {  	s3 =	sld [smem:$0x3FDB];
	s0 =	simm.s32 @p2 $0x1  }
0x17: {  	s4 =	simm.s32 $0x1BF5;
	[smem:$0x3FB1] =	sst s0  }
0x18: {  	s0 =	sld [smem:$0x3F94];
	_ =	swait.ge [sflag:s4], $0x0  }
0x19: {  	s7 =	sld [smem:$0x3F95]  }
0x1a: {  	s8 =	sadd.s32 $0xFFFFE003, lr  }
0x1b: {  	s9 =	sadd.s32 $0xFFFFFEF7, lr;
	s5 =	simm.s32 $0xFFFFFFFF;
	p2 =	slt.u32 s8, $0xFFFFF086  }
0x1c: {  	p1 =	slt.u32 s9, $0xF7A;
	s5 =	simm.s32 @!p2 $0x0  }
0x1d: {  	s5 =	simm.s32 @p1 $0x1;
	p0 =	seq.s32 s7, s2  }
0x1e: {  	s7 =	smul.u32 @!p0 $0xF7A, s2;
	p2 =	seq.s32 @!p0 s5, $0x0  }
0x1f: {  	s9 =	smul.u32 $0xF7A, s1;
	s8 =	simm.s32 @!p0 $0x1BF5;
	p2 =	por !p2, p0  }
0x20: {  	[sflag:s8] =	ssyncset.s32 @!p0 $0xFFFFF086;
	s6 =	sadd.s32 @!p0 s3, s7;
	s7 =	simm.s32 @!p0 $0x108  }
0x21: {  	s3 =	sadd.s32 s3, s9;
	s6 =	sadd.s32 @!p0 $0x88, s6;
	s7 =	simm.s32 @p2 $0x1082  }
0x22: {  	[simem:s7], [sflag:s8] =	dma.local @!p0 [hbm:s6], $0xF7A  }
0x23: {  	s9 =	sor.u32 $0xD0000000, s2;
	s6 =	simm.s32 $0x108;
	_ =	swait.ge @!p0 [sflag:s8], $0x0  }
0x24: {  	s3 =	sadd.s32 $0x88, s3;
	s6 =	simm.s32 @!p1 $0x1082;
	[sflag:s4] =	ssyncset.s32 $0xFFFFF086  }
0x25: {  	[simem:s6], [sflag:s4] =	dma.local [hbm:s3], $0xF7A  }
0x26: {  	[smem:$0x3F95] =	sst s1;
	(tag) =	ssettag s2;
	_ =	strace s9  }
0x27: {  	s1 =	sld [smem:$0x3FA5]  }
0x28: {  	s2 =	sld [smem:$0x3FA6]  }
0x29: {  	s4 =	sld [smem:$0x3FA8]  }
0x2a: {  	p0 =	seq.s32 s5, $0x0;
	s5 =	sld [smem:$0x3FA9]  }
0x2b: {  	s6 =	sld [smem:$0x3FAA]  }
0x2c: {  	s7 =	sld [smem:$0x3FAB]  }
0x2d: {  	s3 =	simm.s32 $0x108;
	s8 =	sld [smem:$0x3FAC]  }
0x2e: {  	s3 =	simm.s32 @!p0 $0x1082;
	s9 =	sld [smem:$0x3FAD]  }
0x2f: {  	lr =	sadd.s32 s0, s3;
	s0 =	sld [smem:$0x3FA4]  }
0x30: {  	s3 =	sld [smem:$0x3FA7]  }
0x31: {  	[smem:$0x3FB0] =	sst s10  }
0x32: {  	s10 =	sld [smem:$0x3FAE];
	_ =	sdelay $0x3  }
0x33: {  	p0 =	seq.s32 s10, $0x1;
	s10 =	sld [smem:$0x3FB0];
	_ =	sdelay $0x3  }
0x34: {  	[smem:$0x3FB0] =	sst s10  }
0x35: {  	s10 =	sld [smem:$0x3FAF];
	_ =	sdelay $0x3  }
0x36: {  	p1 =	seq.s32 s10, $0x1;
	s10 =	sld [smem:$0x3FB0];
	_ =	sdelay $0x3  }
0x37: {  	[smem:$0x3FB0] =	sst s10  }
0x38: {  	s10 =	sld [smem:$0x3FB1]  }
0x39: {  	_ = 	snop;
	(pc) =	sbr.ind lr, $3  }
0x3a: {  	_ = 	snop  }
0x3b: {  	_ = 	snop  }
0x3c: {  	p2 =	seq.s32 s10, $0x1;
	s10 =	sld [smem:$0x3FB0]  }
0x3d: {  	_ =	shalt  }
0x3e: {  	_ =	shalt  }
0x3f: {  	_ =	shalt  }
0x40: {  	_ =	shalt  }
0x41: {  	_ =	shalt  }
0x42: {  	_ =	shalt  }
0x43: {  	_ =	shalt  }
0x44: {  	_ =	shalt  }
0x45: {  	_ =	shalt  }
0x46: {  	_ =	shalt  }
0x47: {  	_ =	shalt  }
0x48: {  	_ =	shalt  }
0x49: {  	_ =	shalt  }
0x4a: {  	_ =	shalt  }
0x4b: {  	_ =	shalt  }
0x4c: {  	_ =	shalt  }
0x4d: {  	_ =	shalt  }
0x4e: {  	_ =	shalt  }
0x4f: {  	_ =	shalt  }
0x50: {  	_ =	shalt  }
0x51: {  	_ =	shalt  }
0x52: {  	_ =	shalt  }
0x53: {  	_ =	shalt  }
0x54: {  	_ =	shalt  }
0x55: {  	_ =	shalt  }
0x56: {  	_ =	shalt  }
0x57: {  	_ =	shalt  }
0x58: {  	_ =	shalt  }
0x59: {  	_ =	shalt  }
0x5a: {  	_ =	shalt  }
0x5b: {  	_ =	shalt  }
0x5c: {  	_ =	shalt  }
0x5d: {  	_ =	shalt  }
0x5e: {  	_ =	shalt  }
0x5f: {  	_ =	shalt  }
0x60: {  	_ =	shalt  }
0x61: {  	_ =	shalt  }
0x62: {  	_ =	shalt  }
0x63: {  	_ =	shalt  }
0x64: {  	_ =	shalt  }
0x65: {  	_ =	shalt  }
0x66: {  	_ =	shalt  }
0x67: {  	_ =	shalt  }
0x68: {  	_ =	shalt  }
0x69: {  	_ =	shalt  }
0x6a: {  	_ =	shalt  }
0x6b: {  	_ =	shalt  }
0x6c: {  	_ =	shalt  }
0x6d: {  	_ =	shalt  }
0x6e: {  	_ =	shalt  }
0x6f: {  	_ =	shalt  }
0x70: {  	_ =	shalt  }
0x71: {  	_ =	shalt  }
0x72: {  	_ =	shalt  }
0x73: {  	_ =	shalt  }
0x74: {  	_ =	shalt  }
0x75: {  	_ =	shalt  }
0x76: {  	_ =	shalt  }
0x77: {  	_ =	shalt  }
0x78: {  	_ =	shalt  }
0x79: {  	_ =	shalt  }
0x7a: {  	_ =	shalt  }
0x7b: {  	_ =	shalt  }
0x7c: {  	_ =	shalt  }
0x7d: {  	_ =	shalt  }
0x7e: {  	_ =	shalt  }
0x7f: {  	_ =	shalt  }
0x80: {  	_ =	shalt  }
0x81: {  	_ =	shalt  }
0x82: {  	_ =	shalt  }
0x83: {  	_ =	shalt  }
0x84: {  	_ =	shalt  }
0x85: {  	_ =	shalt  }
0x86: {  	_ =	shalt  }
0x87: {  	_ =	shalt  }
.Lfunc_end0:
.L_simem_size_0:
called_computation.1_lowered:
.L_overlay_start_0:
0x88: {  	s2 =	sld [smem:$0x3FD9]  }
0x89: {  	s3 =	sld [smem:$0x3FFE];
	_ =	sdelay $0x1  }
0x8a: {  	s1 =	srdreg.scid  }
0x8b: {  	s0 =	sand.u32 $0x1, s1  }
0x8c: {  	s17 =	sshll.u32 s0, $0xA;
	s2 =	sadd.s32 s3, s2  }
0x8d: {  	s2 =	sadd.s32 s2, s17  }
0x8e: {  	[smem:$0x3FBC] =	sst s2  }
0x8f: {  	_ = 	snop  }
0x90: {  	s2 =	sld [smem:$0x3FD0];
	(tm) =	ssettm $0x1  }
0x91: {  	s18 =	sld [smem:$0x3FFB];
	_ =	sdelay $0x3  }
0x92: {  	_ =	strace s18  }
0x93: {  	s3 =	sld [smem:$0x3FFC];
	_ =	sdelay $0x3  }
0x94: {  	_ =	strace s3  }
0x95: {  	s3 =	sld [smem:$0x3FFD];
	_ =	sdelay $0x3  }
0x96: {  	_ =	strace s3  }
0x97: {  	_ =	strace $0x8FFFFFFF  }
0x98: {  	s19 =	sld [smem:$0x3FDB];
	_ =	sdelay $0x1  }
0x99: {  	s4 =	simm.s32 $_scs_section_size  }
0x9a: {  	s5 =	simm.s32 $_size__tile_overlayer_lowered;
	s6 =	simm.s32 $_tile_overlayer_lowered  }
0x9b: {  	s22 =	simm.s32 $0x1BFF;
	s21 =	sshll.u32 s6, $0x1;
	s3 =	sadd.s32 s4, s19  }
0x9c: {  	s7 =	simm.s32 $0x0;
	s20 =	sshll.u32 s5, $0x1;
	s5 =	sadd.s32 s21, s3  }
0x9d: {  	[timem:s7], [sflag:s22] =	dma.local [hbm:s5], s20  }
0x9e: {  	_ =	swait.ge [sflag:s22], s20  }
0x9f: {  	s4 =	ssub.s32 $0x0, s20;
	[sflag:s22] =	ssyncset.done $0x0  }
0xa0: {  	[sflag:s22] =	ssyncadd.s32 s4;
	_ =	sdelay $0x1  }
0xa1: {  	s23 =	simm.s32 $0x1B8B  }
0xa2: {  	_ =	swait.ge [sflag:s23], $0x1  }
0xa3: {  	[sflag:s23] =	ssyncset.done $0x0  }
0xa4: {  	s25 =	simm.s32 $0x1B8E;
	s24 =	sld [smem:$0x3FFE];
	[sflag:s23] =	ssyncadd.s32 $0xFFFFFFFF  }
0xa5: {  	s26 =	simm.s32 $execute0_lowered;
	[smem:$0x3FD2] =	sst s25  }
0xa6: {  	s5 =	sshll.u32 s26, $0x1;
	_ =	strace $0x80000047;
	[dreg:$0x1] =	wrdreg $0xFFFFFFFF  }
0xa7: {  	s28 =	simm.s32 $_size_execute0_lowered;
	s3 =	sadd.s32 s3, s5;
	[dreg:$0x0] =	wrdreg $0x0  }
0xa8: {  	s5 =	sshll.u32 s28, $0x1;
	[dreg:$0x2] =	wrdreg s3  }
0xa9: {  	[dreg:$0x3] =	wrdreg s5  }
0xaa: {  	[dreg:$0x4] =	wrdreg $0xC0  }
0xab: {  	_ =	task [dreg:s7], $0x5FFFF  }
0xac: {  	[dreg:$0x1] =	wrdreg $0xFFFFFFFF  }
0xad: {  	[dreg:$0x0] =	wrdreg $0x60  }
0xae: {  	[dreg:$0x2] =	wrdreg s24  }
0xaf: {  	[dreg:$0x3] =	wrdreg s2  }
0xb0: {  	[dreg:$0x4] =	wrdreg $0x9  }
0xb1: {  	_ =	task.clear_ibuf [dreg:s7], $0x5FFFF;
	_ =	strace $0x90000047  }
0xb2: {  	s29 =	simm.s32 $0x9;
	_ =	strace $0x80000049  }
0xb3: {  	_ =	swait.ge [sflag:s29], $0x1  }
0xb4: {  	[sflag:s29] =	ssyncadd.s32 $0xFFFFFFFF  }
0xb5: {  	_ =	strace $0x90000049  }
0xb6: {  	_ =	sfence  }
0xb7: {  	s30 =	sld [smem:$0x0];
	_ =	sdelay $0x2  }
0xb8: {  	s31 =	sshll.u32 s1, $0xD;
	s1 =	sshrl.u32 s1, $0x2  }
0xb9: {  	s3 =	sand.u32 $0x4000, s31;
	s1 =	sadd.s32 s1, s30  }
0xba: {  	s0 =	sor.u32 s3, s0;
	s1 =	sshll.u32 s1, $0x11  }
0xbb: {  	s0 =	sor.u32 s1, s0  }
0xbc: {  	s0 =	sadd.s32 $0x8F2B, s0  }
0xbd: {  	[sflag:s0] =	ssyncadd.remote.s32 $0x1  }
0xbe: {  	_ =	sfence.sel $0xFFFF  }
0xbf: {  	[dreg:$0x0] =	wrdreg $0xFFFFFFFF;
	(pc) =	sbr.abs _section_cstart, $3  }
0xc0: {  	[dreg:$0x1] =	wrdreg $0xFFFFFFFF  }
0xc1: {  	_ =	task.clear_ibuf [dreg:s7], $0x2FFFF;
	_ =	strace $0x9FFFFFFF  }
0xc2: {  	(tm) =	ssettm $0x7FFFFFFF  }
0xc3: {  	_ =	shalt  }
tec
execute0_lowered:
.L_overlay_start_1:
0x0: {  	(tag) =	ssettag $0x1  }
0x1: {  	s4 =	rddreg [dreg:$0x0]  }
0x2: {  	s5 =	rddreg [dreg:$0x1];
	s2 =	srdreg.scid  }
0x3: {  	s0 =	rddreg [dreg:$0x2];
	s1 =	stileid.u32  }
0x4: {  	s9 =	simm.s32 $0x880;
	s10 =	simm.s32 $0x1080;
	s11 =	simm.s32 $0x1880  }
0x5: {  	s12 =	simm.s32 $0x2080;
	s13 =	simm.s32 $0x2880;
	s14 =	simm.s32 $0x3080  }
0x6: {  	s15 =	simm.s32 $0x3880;
	s16 =	simm.s32 $0x1;
	s3 =	sand.u32 $0x1, s2  }
0x7: {  	s2 =	simm.s32 $0x0;
	s6 =	sshll.u32 s1, $0x7;
	s7 =	sshll.u32 s3, $0x6  }
0x8: {  	[smem:$0x7FF] =	sst s2;
	s8 =	ssub.s32 $0x2, s3;
	s6 =	sor.u32 s7, s6  }
0x9: {  	s3 =	sadd.s32 $0x2800, s4;
	_ =	strace $0x80000048;
	s7 =	sshrl.u32 s6, $0x3  }
0xa: {  	v2 =	vlaneseq.u32;
	s31 =	sshrl.u32 s8, $0x1;
	s6 =	sshll.u32 s6, $0x5;
	s4 =	sadd.s32 s7, s4  }
0xb: {  	vm0 =	vmmov $0xffff;
	v1 =	vshrl.u32 v2, $0x3;
	s7 =	ssub.s32 s8, s31;
	s5 =	sadd.s32 s5, s6;
	s8 =	simm.s32 $0x80  }
0xc: {  	v0 =	vand.u32 $0x7, v2;
	v2 =	vor.u32 $0x8, v2;
	v1 =	vmul.u32 $0x8, v1;
	s4 =	sadd.s32 $0x2600, s4;
	s6 =	smax.u32 s7, $0x1;
	s7 =	simm.s32 $0x2  }
.LBB2_1:
0xd: {  	[tilespmem:s2], [sflag:$0x2] =	stream.linear.gather [hbm4b:s4+s2], $0x40, $0x38;
	[tilespmem:$0x4080] =	vst v63  }
0xe: {  	_ =	swait.ge [sflag:s7], $0x40  }
0xf: {  	[sflag:s7] =	ssyncset.done $0x0  }
0x10: {  	[sflag:s7] =	ssyncadd.s32 $0xFFFFFFC0  }
0x11: {  	v3 =	vld [tilespmem:$0x0];
	_ =	sdelay $0x4  }
0x12: {  	v4 =	vshll.u32 v3, $0x1  }
0x13: {  	v3 =	vand.u32 $0x7, v3;
	v4 =	vand.u32 $0xFFFFFFF0, v4  }
0x14: {  	v3 =	vor.u32 v3, v4  }
0x15: {  	v4 =	vperm.xlane v3, v0;
	_ =	sdelay $0x1  }
0x16: {  	v3 =	vperm.xlane v3, v2;
	v4 =	vadd.s32 v1, v4;
	_ =	sdelay $0x1  }
0x17: {  	v3 =	vadd.s32 v1, v3;
	_ =	sdelay $0x2  }
0x18: {  	[tilespmem:s8], [sflag:$0x1] =	stream.indirect_vreg.gather [hbm4b:s3+s2], $0x80, v4, vm0, $0xb8;
	[tilespmem:$0x4080] =	vst v63  }
0x19: {  	_ = 	snop  }
0x1a: {  	[tilespmem:s9], [sflag:$0x1] =	stream.indirect_vreg.gather [hbm4b:s3+s2], $0x80, v3, vm0, $0xb8;
	[tilespmem:$0x4080] =	vst v63  }
0x1b: {  	v3 =	vld [tilespmem:$0x10];
	_ =	sdelay $0x4  }
0x1c: {  	v61 =	vshll.u32 v3, $0x1  }
0x1d: {  	v3 =	vand.u32 $0x7, v3;
	v4 =	vand.u32 $0xFFFFFFF0, v61  }
0x1e: {  	v3 =	vor.u32 v3, v4  }
0x1f: {  	v4 =	vperm.xlane v3, v0;
	_ =	sdelay $0x1  }
0x20: {  	v3 =	vperm.xlane v3, v2;
	v4 =	vadd.s32 v1, v4;
	_ =	sdelay $0x1  }
0x21: {  	v3 =	vadd.s32 v1, v3;
	_ =	sdelay $0x2  }
0x22: {  	[tilespmem:s10], [sflag:$0x1] =	stream.indirect_vreg.gather [hbm4b:s3+s2], $0x80, v4, vm0, $0xb8;
	[tilespmem:$0x4080] =	vst v63  }
0x23: {  	_ = 	snop  }
0x24: {  	[tilespmem:s11], [sflag:$0x1] =	stream.indirect_vreg.gather [hbm4b:s3+s2], $0x80, v3, vm0, $0xb8;
	[tilespmem:$0x4080] =	vst v63  }
0x25: {  	v3 =	vld [tilespmem:$0x20];
	_ =	sdelay $0x4  }
0x26: {  	v62 =	vshll.u32 v3, $0x1  }
0x27: {  	v3 =	vand.u32 $0x7, v3;
	v4 =	vand.u32 $0xFFFFFFF0, v62  }
0x28: {  	v3 =	vor.u32 v3, v4  }
0x29: {  	v4 =	vperm.xlane v3, v0;
	_ =	sdelay $0x1  }
0x2a: {  	v3 =	vperm.xlane v3, v2;
	v4 =	vadd.s32 v1, v4;
	_ =	sdelay $0x1  }
0x2b: {  	v3 =	vadd.s32 v1, v3;
	_ =	sdelay $0x2  }
0x2c: {  	[tilespmem:s12], [sflag:$0x1] =	stream.indirect_vreg.gather [hbm4b:s3+s2], $0x80, v4, vm0, $0xb8;
	[tilespmem:$0x4080] =	vst v63  }
0x2d: {  	_ = 	snop  }
0x2e: {  	[tilespmem:s13], [sflag:$0x1] =	stream.indirect_vreg.gather [hbm4b:s3+s2], $0x80, v3, vm0, $0xb8;
	[tilespmem:$0x4080] =	vst v63  }
0x2f: {  	v3 =	vld [tilespmem:$0x30];
	_ =	sdelay $0x4  }
0x30: {  	v63 =	vshll.u32 v3, $0x1  }
0x31: {  	v3 =	vand.u32 $0x7, v3;
	v4 =	vand.u32 $0xFFFFFFF0, v63  }
0x32: {  	v3 =	vor.u32 v3, v4  }
0x33: {  	v4 =	vperm.xlane v3, v0;
	_ =	sdelay $0x1  }
0x34: {  	v3 =	vperm.xlane v3, v2;
	v4 =	vadd.s32 v1, v4;
	_ =	sdelay $0x1  }
0x35: {  	v3 =	vadd.s32 v1, v3;
	_ =	sdelay $0x2  }
0x36: {  	[tilespmem:s14], [sflag:$0x1] =	stream.indirect_vreg.gather [hbm4b:s3+s2], $0x80, v4, vm0, $0xb8;
	[tilespmem:$0x4080] =	vst v63  }
0x37: {  	_ = 	snop  }
0x38: {  	[tilespmem:s15], [sflag:$0x1] =	stream.indirect_vreg.gather [hbm4b:s3+s2], $0x80, v3, vm0, $0xb8;
	[tilespmem:$0x4080] =	vst v63  }
0x39: {  	_ =	swait.ge [sflag:s16], $0x4000  }
0x3a: {  	p0 =	sne.s32 s6, $0x1;
	[sflag:s16] =	ssyncset.done $0x0  }
.Ltmp0:
0x3b: {  	[sflag:s16] =	ssyncadd.s32 $0xFFFFC000;
	(pc) =	sbr.rel @p0 .LBB2_1-.Ltmp0, $4  }
0x3c: {  	[hbm4b:s5+s2] =	stream.linear.scatter [tilespmem:s8], [sflag:$0x2], $0x4000, $0x38;
	[tilespmem:$0x4080] =	vst v63  }
0x3d: {  	_ =	swait.ge [sflag:s7], $0x4000  }
0x3e: {  	[sflag:s7] =	ssyncset.done $0x0  }
0x3f: {  	s6 =	sadd.s32 $0xFFFFFFFF, s6;
	[sflag:s7] =	ssyncadd.s32 $0xFFFFC000  }
0x40: {  	_ =	sfence.sel $0x180000  }
0x41: {  	[bflag:$0x0] =	sbarrier.arrive $0xFFFF  }
0x42: {  	p0 =	sne.s32 s1, $0x0;
	_ =	strace $0x90000048  }
0x43: {  	s0 =	sadd.s32 @!p0 $0x100000, s0;
	[bflag:$0x2] =	sbarrier.arrive $0xFFFF  }
0x44: {  	[sflag:s0] =	ssyncadd.tile.s32 @!p0 $0x1;
	_ =	shalt  }
.Lfunc_end2:
_tile_overlayer_lowered:
.L_overlay_start_2:
0x45: {  	(tag) =	ssettag $0x2  }
0x46: {  	s0 =	rddreg [dreg:$0x0];
	s2 =	stileid.u32  }
0x47: {  	s1 =	rddreg [dreg:$0x1];
	p0 =	sne.s32 s2, $0x0  }
0x48: {  	s3 =	rddreg [dreg:$0x2];
	[bflag:$0x3] =	sbarrier.arrive $0xFFFF;
	s2 =	simm.s32 @!p0 $0x1C02  }
0x49: {  	[timem:s3], [sflag:s2] =	dma.local @!p0 [hbm:s0], s1  }
0x4a: {  	s0 =	simm.s32 @!p0 $0x2  }
0x4b: {  	_ =	swait.ge @!p0 [sflag:s0], s1  }
0x4c: {  	s1 =	ssub.s32 @!p0 $0x0, s1;
	[sflag:s0] =	ssyncset.done @!p0 $0x0  }
0x4d: {  	[sflag:s0] =	ssyncadd.s32 @!p0 s1  }
0x4e: {  	[bflag:$0x3] =	sbarrier.arrive $0xFFFF  }
0x4f: {  	_ =	shalt  }

</sc_bundles>
